<compile_context>
chip_gen: v7x
topology: tpu7x:2x2x1
jax: 0.10.2.dev20260603
libtpu: 0.0.44.dev20260713+nightly
codegen_flags: <defaults>
</compile_context>

<pallas_src>
import jax
import jax.numpy as jnp
from jax import lax
from jax.experimental import pallas as pl
from jax.experimental.pallas import tpu as pltpu
from jax.experimental.pallas import tpu_sc as plsc

N_NODES = 50000
N_EDGES = 1600000
N_HEAD = 4
D_HEAD = 8
DQK = N_HEAD * D_HEAD
ROWS = N_EDGES // 4
OROWS = N_EDGES * N_HEAD // 128

N_SLOTS = 8
CROWS = 1600
CHUNK = CROWS * 4
N_CHUNKS = N_EDGES // CHUNK
MAX_J = (N_CHUNKS + N_SLOTS - 1) // N_SLOTS
NPAD = 51200
LANES = 16



def _score_body(q_ref, k_ref, wq_ref, wk_ref, p_ref, o_ref):
    u = q_ref[...] * wq_ref[...] + k_ref[...] * wk_ref[...]
    hi = u.astype(jnp.bfloat16)
    lo = (u - hi.astype(jnp.float32)).astype(jnp.bfloat16)
    p = p_ref[...]
    s = lax.dot_general(p, hi, (((1,), (0,)), ((), ())),
                        preferred_element_type=jnp.float32)
    s = s + lax.dot_general(p, lo, (((1,), (0,)), ((), ())),
                            preferred_element_type=jnp.float32)
    o_ref[...] = jnp.exp(jnp.maximum(s, 0.0))


def _stage1(qT, kT, wqc, wkc, psum, be=32000):
    grid = N_EDGES // be
    return pl.pallas_call(
        _score_body,
        grid=(grid,),
        in_specs=[
            pl.BlockSpec((DQK, be), lambda i: (0, i)),
            pl.BlockSpec((DQK, be), lambda i: (0, i)),
            pl.BlockSpec((DQK, 1), lambda i: (0, 0)),
            pl.BlockSpec((DQK, 1), lambda i: (0, 0)),
            pl.BlockSpec((N_HEAD, DQK), lambda i: (0, 0)),
        ],
        out_specs=pl.BlockSpec((N_HEAD, be), lambda i: (0, i)),
        out_shape=jax.ShapeDtypeStruct((N_HEAD, N_EDGES), jnp.float32),
    )(qT, kT, wqc, wkc, psum)



def _scatter_body(ex4_hbm, idx_hbm, part_hbm, table, idx_buf, val4_buf):
    wid = lax.axis_index("s") * 2 + lax.axis_index("c")
    head = wid // N_SLOTS
    slot = wid % N_SLOTS

    def zero_step(i, _):
        table[i >> 3, pl.ds((i & 7) * LANES, LANES)] = jnp.zeros((LANES,), jnp.float32)
        return 0
    lax.fori_loop(0, NPAD // LANES, zero_step, 0)

    def chunk_step(j, _):
        c = slot + j * N_SLOTS

        @pl.when(c < N_CHUNKS)
        def _():
            pltpu.sync_copy(idx_hbm.at[pl.ds(c * CHUNK, CHUNK)], idx_buf)
            pltpu.sync_copy(ex4_hbm.at[:, pl.ds(c * CHUNK, CHUNK)], val4_buf)

            def scat_step(t, _):
                iv = idx_buf[pl.ds(t * LANES, LANES)]
                xv = val4_buf[head, pl.ds(t * LANES, LANES)]
                plsc.addupdate_scatter(table, [iv >> 7, iv & 127], xv)
                return 0
            lax.fori_loop(0, CHUNK // LANES, scat_step, 0)
        return 0
    lax.fori_loop(0, MAX_J, chunk_step, 0)

    pltpu.sync_copy(table, part_hbm.at[pl.ds(wid * (NPAD // 128), NPAD // 128), :])


def _stage2(ex4, idx):
    mesh = plsc.VectorSubcoreMesh(core_axis_name="c", subcore_axis_name="s")
    f = pl.kernel(
        _scatter_body,
        out_type=jax.ShapeDtypeStruct((32 * NPAD // 128, 128), jnp.float32),
        mesh=mesh,
        scratch_types=[
            pltpu.VMEM((NPAD // 128, 128), jnp.float32),
            pltpu.VMEM((CHUNK,), jnp.int32),
            pltpu.VMEM((N_HEAD, CHUNK), jnp.float32),
        ],
        compiler_params=pltpu.CompilerParams(needs_layout_passes=False),
    )
    return f(ex4, idx)



def _inv_body(p_ref, o_ref):
    p = p_ref[...].reshape(N_HEAD, N_SLOTS, NPAD // 128, 128)
    d = jnp.sum(p, axis=1)
    o_ref[...] = (1.0 / (d + 1e-16)).reshape(N_HEAD * NPAD // 128, 128)


def _stage3(partials):
    return pl.pallas_call(
        _inv_body,
        out_shape=jax.ShapeDtypeStruct((N_HEAD * NPAD // 128, 128), jnp.float32),
    )(partials)



def _gather_body(inv_hbm, idx_hbm, ex4_hbm, out_hbm, table, idx_buf, val4_buf, g_buf):
    wid = lax.axis_index("s") * 2 + lax.axis_index("c")
    head = wid // N_SLOTS
    slot = wid % N_SLOTS

    pltpu.sync_copy(inv_hbm.at[pl.ds(head * (NPAD // 128), NPAD // 128), :], table)
    def chunk_step(j, _):
        c = slot + j * N_SLOTS

        @pl.when(c < N_CHUNKS)
        def _():
            pltpu.sync_copy(idx_hbm.at[pl.ds(c * CHUNK, CHUNK)], idx_buf)
            pltpu.sync_copy(ex4_hbm.at[:, pl.ds(c * CHUNK, CHUNK)], val4_buf)

            def gat_step(t, _):
                iv = idx_buf[pl.ds(t * LANES, LANES)]
                gv = plsc.load_gather(table, [iv >> 7, iv & 127])
                xv = val4_buf[head, pl.ds(t * LANES, LANES)]
                g_buf[pl.ds(t * LANES, LANES)] = gv * xv
                return 0
            lax.fori_loop(0, CHUNK // LANES, gat_step, 0)
            pltpu.sync_copy(g_buf, out_hbm.at[pl.ds(head * N_EDGES + c * CHUNK, CHUNK)])
        return 0
    lax.fori_loop(0, MAX_J, chunk_step, 0)


def _stage4(inv, idx, ex4):
    mesh = plsc.VectorSubcoreMesh(core_axis_name="c", subcore_axis_name="s")
    f = pl.kernel(
        _gather_body,
        out_type=jax.ShapeDtypeStruct((N_HEAD * N_EDGES,), jnp.float32),
        mesh=mesh,
        scratch_types=[
            pltpu.VMEM((NPAD // 128, 128), jnp.float32),
            pltpu.VMEM((CHUNK,), jnp.int32),
            pltpu.VMEM((N_HEAD, CHUNK), jnp.float32),
            pltpu.VMEM((CHUNK,), jnp.float32),
        ],
        compiler_params=pltpu.CompilerParams(needs_layout_passes=False),
    )
    return f(inv, idx, ex4)




@jax.jit
def kernel(q, k, attn, index):
    qT = q.reshape(N_EDGES, DQK).T
    kT = k.reshape(N_EDGES, DQK).T
    a = attn.reshape(N_HEAD, 2 * D_HEAD)
    aq, ak = a[:, :D_HEAD], a[:, D_HEAD:]
    wqc = aq.reshape(DQK, 1)
    wkc = ak.reshape(DQK, 1)
    ll = jnp.arange(DQK)
    hh = jnp.arange(N_HEAD)
    psum = ((ll[None, :] // D_HEAD) == hh[:, None]).astype(jnp.bfloat16)
    idx = index.astype(jnp.int32)

    ex4 = _stage1(qT, kT, wqc, wkc, psum)
    partials = _stage2(ex4, idx)
    inv = _stage3(partials)
    outp = _stage4(inv, idx, ex4)
    return jnp.transpose(outp.reshape(1, N_HEAD, N_EDGES), (0, 2, 1))

# --- scband reference (transcript-rebuilt; emitter-appended) ---
"""Pipeline reference for scband-flatten-additive-mul-33509334843953 (READ-ONLY COPY).

The authoritative reference and input builder live on the scoring server;
editing this copy changes nothing except your own understanding.
"""

import jax, jax.numpy as jnp
import numpy as np

N_NODES = 50000
N_EDGES = 1600000
N_HEAD = 4
D_HEAD = 8


def _scatter_softmax(score, index, num_segments):
    # score: [E, H]; softmax over edges grouped by index (dst node)
    seg_max = jax.ops.segment_max(score, index, num_segments=num_segments)
    seg_max = jnp.where(jnp.isfinite(seg_max), seg_max, 0.0)
    recentered = score - seg_max[index]
    ex = jnp.exp(recentered)
    denom = jax.ops.segment_sum(ex, index, num_segments=num_segments)
    return ex / (denom[index] + 1e-16)


def setup_inputs(seed: int = 0) -> dict:
    key = jax.random.key(seed)
    kq, kk, ka, ki = jax.random.split(key, 4)
    q = jax.random.normal(kq, (1, N_EDGES, N_HEAD, D_HEAD), dtype=jnp.float32)
    k = jax.random.normal(kk, (1, N_EDGES, N_HEAD, D_HEAD), dtype=jnp.float32)
    # glorot uniform on attn param of shape (1, n_head, 2*d_head)
    stdv = float(np.sqrt(6.0 / (N_HEAD + 2 * D_HEAD)))
    attn = jax.random.uniform(ka, (1, N_HEAD, 2 * D_HEAD), dtype=jnp.float32, minval=-stdv, maxval=stdv)
    index = jax.random.randint(ki, (N_EDGES,), 0, N_NODES, dtype=jnp.int64)
    return {"q": q, "k": k, "attn": attn, "index": index}


def reference(q, k, attn, index):
    batchlize = q.ndim > 3
    a = attn[None] if batchlize else attn
    inp = jnp.concatenate([q, k], axis=-1)
    attn_score = jax.nn.relu(jnp.sum(inp * a, axis=-1))  # [B, E, H]
    if batchlize:
        out = jax.vmap(lambda s: _scatter_softmax(s, index, N_NODES))(attn_score)
    else:
        out = _scatter_softmax(attn_score, index, N_NODES)
    # dropout p=0.0 -> identity in eval
    return out

if __name__ == "__main__":
    import jax
    _d = setup_inputs()
    print(jax.jit(kernel)(*tuple(_d.values())))

</pallas_src>

<mosaic_0001>
#map = affine_map<(d0, d1) -> (0, 0)>
#map1 = affine_map<(d0, d1) -> (0)>
module attributes {stable_mosaic.version = 14 : i64} {
  func.func @_scatter_body(%arg0: i32, %arg1: i32, %arg2: memref<4x1600000xf32, #tpu.memory_space<hbm>>, %arg3: memref<1600000xi32, #tpu.memory_space<hbm>>, %arg4: memref<12800x128xf32, #tpu.memory_space<hbm>>, %arg5: memref<400x128xf32, #tpu.memory_space<vmem>>, %arg6: memref<6400xi32, #tpu.memory_space<vmem>>, %arg7: memref<4x6400xf32, #tpu.memory_space<vmem>>) attributes {dimension_semantics = [#tpu.dimension_semantics<core_parallel>, #tpu.dimension_semantics<subcore_parallel>], iteration_bounds = array<i64: 2, 16>, scalar_prefetch = 0 : i64, scratch_operands = 3 : i64, tpu.core_type = #tpu.core_type<sc_vector_subcore>, window_params = [{transform_indices = #map}, {transform_indices = #map1}, {transform_indices = #map}]} {
    %mul3A = arith.constant 2 : i32
    %mul3A_0 = arith.muli %arg1, %mul3A : i32
    %add3A = arith.addi %mul3A_0, %arg0 : i32
    %jit3A = arith.constant 8 : i32
    %div3A = arith.divsi %add3A, %jit3A : i32
    %sign3A = arith.constant 0 : i32
    %sign3A_1 = arith.cmpi sgt, %add3A, %sign3A : i32
    %sign3A_2 = arith.extui %sign3A_1 : i1 to i32
    %sign3A_3 = arith.constant 0 : i32
    %sign3A_4 = arith.cmpi slt, %add3A, %sign3A_3 : i32
    %sign3A_5 = arith.extui %sign3A_4 : i1 to i32
    %sign3A_6 = arith.subi %sign3A_2, %sign3A_5 : i32
    %sign3A_7 = arith.constant 0 : i32
    %sign3A_8 = arith.cmpi sgt, %jit3A, %sign3A_7 : i32
    %sign3A_9 = arith.extui %sign3A_8 : i1 to i32
    %sign3A_10 = arith.constant 0 : i32
    %sign3A_11 = arith.cmpi slt, %jit3A, %sign3A_10 : i32
    %sign3A_12 = arith.extui %sign3A_11 : i1 to i32
    %sign3A_13 = arith.subi %sign3A_9, %sign3A_12 : i32
    %ne3A = arith.cmpi ne, %sign3A_6, %sign3A_13 : i32
    %rem3A = arith.remsi %add3A, %jit3A : i32
    %ne3A_14 = arith.constant 0 : i32
    %ne3A_15 = arith.cmpi ne, %rem3A, %ne3A_14 : i32
    %and3A = arith.andi %ne3A, %ne3A_15 : i1
    %sub3A = arith.constant 1 : i32
    %sub3A_16 = arith.subi %div3A, %sub3A : i32
    %select_n3A = arith.select %and3A, %sub3A_16, %div3A : i32
    %jit3A_17 = arith.constant 8 : i32
    %eq3A = arith.constant 0 : i32
    %eq3A_18 = arith.cmpi eq, %jit3A_17, %eq3A : i32
    %jit3A_19 = arith.constant 1 : i32
    %select_n3A_20 = arith.select %eq3A_18, %jit3A_19, %jit3A_17 : i32
    %rem3A_21 = arith.remsi %add3A, %select_n3A_20 : i32
    %ne3A_22 = arith.constant 0 : i32
    %ne3A_23 = arith.cmpi ne, %rem3A_21, %ne3A_22 : i32
    %lt3A = arith.constant 0 : i32
    %lt3A_24 = arith.cmpi slt, %rem3A_21, %lt3A : i32
    %lt3A_25 = arith.constant 0 : i32
    %lt3A_26 = arith.cmpi slt, %select_n3A_20, %lt3A_25 : i32
    %ne3A_27 = arith.xori %lt3A_24, %lt3A_26 : i1
    %and3A_28 = arith.andi %ne3A_27, %ne3A_23 : i1
    %add3A_29 = arith.addi %rem3A_21, %select_n3A_20 : i32
    %select_n3A_30 = arith.select %and3A_28, %add3A_29, %rem3A_21 : i32
    %scan3A = arith.constant 0 : i32
    %scan3A_31 = arith.constant 0 : i32
    %scan3A_32 = arith.constant 3200 : i32
    %scan3A_33 = arith.addi %scan3A_31, %scan3A_32 : i32
    %scan3A_34 = arith.constant 1 : i32
    %scan3A_35 = scf.for %scan3A_46 = %scan3A_31 to %scan3A_33 step %scan3A_34 iter_args(%scan3A_47 = %scan3A) -> (i32)  : i32 {
      %broadcast_in_dim3A = arith.constant 0.000000e+00 : f32
      %broadcast_in_dim3A_48 = vector.broadcast %broadcast_in_dim3A : f32 to vector<16xf32>
      %shift_right_arithmetic3A = arith.constant 3 : i32
      %shift_right_arithmetic3A_49 = arith.shrsi %scan3A_46, %shift_right_arithmetic3A : i32
      %and3A_50 = arith.constant 7 : i32
      %and3A_51 = arith.andi %scan3A_46, %and3A_50 : i32
      %mul3A_52 = arith.constant 16 : i32
      %mul3A_53 = arith.muli %and3A_51, %mul3A_52 : i32
      %swap3A = arith.index_cast %shift_right_arithmetic3A_49 : i32 to index
      %swap3A_54 = arith.index_cast %mul3A_53 : i32 to index
      %swap3A_55 = tpu.vector_load %arg5[%swap3A, %swap3A_54] {strides = array<i32>} : memref<400x128xf32, #tpu.memory_space<vmem>>, vector<16xf32>,
      tpu.vector_store %arg5[%swap3A, %swap3A_54], %broadcast_in_dim3A_48 {strides = array<i32>} : memref<400x128xf32, #tpu.memory_space<vmem>>, vector<16xf32>,
      %scan3A_56 = arith.constant 0 : i32
      scf.yield %scan3A_56 : i32
    }
    %scan3A_36 = arith.constant 3200 : i32
    %scan3A_37 = arith.constant 0 : i32
    %scan3A_38 = arith.constant 0 : i32
    %scan3A_39 = arith.constant 32 : i32
    %scan3A_40 = arith.addi %scan3A_38, %scan3A_39 : i32
    %scan3A_41 = arith.constant 1 : i32
    %scan3A_42 = scf.for %scan3A_46 = %scan3A_38 to %scan3A_40 step %scan3A_41 iter_args(%scan3A_47 = %scan3A_37) -> (i32)  : i32 {
      %mul3A_48 = arith.constant 8 : i32
      %mul3A_49 = arith.muli %scan3A_46, %mul3A_48 : i32
      %add3A_50 = arith.addi %select_n3A_30, %mul3A_49 : i32
      %lt3A_51 = arith.constant 250 : i32
      %lt3A_52 = arith.cmpi slt, %add3A_50, %lt3A_51 : i32
      %convert_element_type3A = arith.extui %lt3A_52 : i1 to i32
      %cond3A = arith.constant 0 : i32
      %cond3A_53 = arith.cmpi ne, %convert_element_type3A, %cond3A : i32
      scf.if %cond3A_53 {
        %mul3A_55 = arith.constant 6400 : i32
        %mul3A_56 = arith.muli %add3A_50, %mul3A_55 : i32
        "tpu.region"() ({
          %run_scoped3A = tpu.sem_alloc : memref<!tpu.dma_semaphore, #tpu.memory_space<semaphore_mem>>
          %dma_start3A = tpu.memref_slice %arg3[%mul3A_56] : memref<1600000xi32, #tpu.memory_space<hbm>> -> memref<6400xi32, #tpu.memory_space<hbm>>
          %dma_start3A_66 = tpu.memref_slice %arg3[%mul3A_56] : memref<1600000xi32, #tpu.memory_space<hbm>> -> memref<6400xi32, #tpu.memory_space<hbm>>
          tpu.enqueue_dma source(%dma_start3A_66 : memref<6400xi32, #tpu.memory_space<hbm>>) target(%arg6 : memref<6400xi32, #tpu.memory_space<vmem>>) target_semaphore(%run_scoped3A : memref<!tpu.dma_semaphore, #tpu.memory_space<semaphore_mem>>)
          %dma_wait3A = tpu.memref_slice %arg3[%mul3A_56] : memref<1600000xi32, #tpu.memory_space<hbm>> -> memref<6400xi32, #tpu.memory_space<hbm>>
          %dma_wait3A_67 = tpu.memref_slice %arg3[%mul3A_56] : memref<1600000xi32, #tpu.memory_space<hbm>> -> memref<6400xi32, #tpu.memory_space<hbm>>
          tpu.wait_dma2 semaphore(%run_scoped3A : memref<!tpu.dma_semaphore, #tpu.memory_space<semaphore_mem>>) src(%dma_wait3A_67 : memref<6400xi32, #tpu.memory_space<hbm>>) dst(%arg6 : memref<6400xi32, #tpu.memory_space<vmem>>)
          tpu.yield
        }) : () -> ()
        %mul3A_57 = arith.constant 6400 : i32
        %mul3A_58 = arith.muli %add3A_50, %mul3A_57 : i32
        "tpu.region"() ({
          %run_scoped3A = tpu.sem_alloc : memref<!tpu.dma_semaphore, #tpu.memory_space<semaphore_mem>>
          %dma_start3A = arith.constant 0 : i32
          %dma_start3A_66 = tpu.memref_slice %arg2[%dma_start3A, %mul3A_58] : memref<4x1600000xf32, #tpu.memory_space<hbm>> -> memref<4x6400xf32, #tpu.memory_space<hbm>>
          %dma_start3A_67 = arith.constant 0 : i32
          %dma_start3A_68 = tpu.memref_slice %arg2[%dma_start3A_67, %mul3A_58] : memref<4x1600000xf32, #tpu.memory_space<hbm>> -> memref<4x6400xf32, #tpu.memory_space<hbm>>
          tpu.enqueue_dma source(%dma_start3A_68 : memref<4x6400xf32, #tpu.memory_space<hbm>>) target(%arg7 : memref<4x6400xf32, #tpu.memory_space<vmem>>) target_semaphore(%run_scoped3A : memref<!tpu.dma_semaphore, #tpu.memory_space<semaphore_mem>>)
          %dma_wait3A = arith.constant 0 : i32
          %dma_wait3A_69 = tpu.memref_slice %arg2[%dma_wait3A, %mul3A_58] : memref<4x1600000xf32, #tpu.memory_space<hbm>> -> memref<4x6400xf32, #tpu.memory_space<hbm>>
          %dma_wait3A_70 = arith.constant 0 : i32
          %dma_wait3A_71 = tpu.memref_slice %arg2[%dma_wait3A_70, %mul3A_58] : memref<4x1600000xf32, #tpu.memory_space<hbm>> -> memref<4x6400xf32, #tpu.memory_space<hbm>>
          tpu.wait_dma2 semaphore(%run_scoped3A : memref<!tpu.dma_semaphore, #tpu.memory_space<semaphore_mem>>) src(%dma_wait3A_71 : memref<4x6400xf32, #tpu.memory_space<hbm>>) dst(%arg7 : memref<4x6400xf32, #tpu.memory_space<vmem>>)
          tpu.yield
        }) : () -> ()
        %scan3A_59 = arith.constant 0 : i32
        %scan3A_60 = arith.constant 0 : i32
        %scan3A_61 = arith.constant 400 : i32
        %scan3A_62 = arith.addi %scan3A_60, %scan3A_61 : i32
        %scan3A_63 = arith.constant 1 : i32
        %scan3A_64 = scf.for %scan3A_66 = %scan3A_60 to %scan3A_62 step %scan3A_63 iter_args(%scan3A_67 = %scan3A_59) -> (i32)  : i32 {
          %mul3A_68 = arith.constant 16 : i32
          %mul3A_69 = arith.muli %scan3A_66, %mul3A_68 : i32
          %get3A = arith.index_cast %mul3A_69 : i32 to index
          %get3A_70 = tpu.vector_load %arg6[%get3A] {strides = array<i32>} : memref<6400xi32, #tpu.memory_space<vmem>>, vector<16xi32>,
          %mul3A_71 = arith.constant 16 : i32
          %mul3A_72 = arith.muli %scan3A_66, %mul3A_71 : i32
          %get3A_73 = arith.index_cast %select_n3A : i32 to index
          %get3A_74 = arith.index_cast %mul3A_72 : i32 to index
          %get3A_75 = tpu.vector_load %arg7[%get3A_73, %get3A_74] {strides = array<i32>} : memref<4x6400xf32, #tpu.memory_space<vmem>>, vector<16xf32>,
          %shift_right_arithmetic3A = arith.constant 7 : i32
          %shift_right_arithmetic3A_76 = vector.broadcast %shift_right_arithmetic3A : i32 to vector<16xi32>
          %shift_right_arithmetic3A_77 = arith.shrsi %get3A_70, %shift_right_arithmetic3A_76 : vector<16xi32>
          %and3A_78 = arith.constant 127 : i32
          %and3A_79 = vector.broadcast %and3A_78 : i32 to vector<16xi32>
          %and3A_80 = arith.andi %get3A_70, %and3A_79 : vector<16xi32>
          tpu.vector_store_idx %arg5[%shift_right_arithmetic3A_77, %and3A_80], %get3A_75 {add = true} : memref<400x128xf32, #tpu.memory_space<vmem>>[vector<16xi32>, vector<16xi32>], vector<16xf32>,
          %scan3A_81 = arith.constant 0 : i32
          scf.yield %scan3A_81 : i32
        }
        %scan3A_65 = arith.constant 400 : i32
      } else {
      }
      %scan3A_54 = arith.constant 0 : i32
      scf.yield %scan3A_54 : i32
    }
    %scan3A_43 = arith.constant 32 : i32
    %mul3A_44 = arith.constant 400 : i32
    %mul3A_45 = arith.muli %add3A, %mul3A_44 : i32
    "tpu.region"() ({
      %run_scoped3A = tpu.sem_alloc : memref<!tpu.dma_semaphore, #tpu.memory_space<semaphore_mem>>
      %dma_start3A = arith.constant 0 : i32
      %dma_start3A_46 = tpu.memref_slice %arg4[%mul3A_45, %dma_start3A] : memref<12800x128xf32, #tpu.memory_space<hbm>> -> memref<400x128xf32, #tpu.memory_space<hbm>>
      %dma_start3A_47 = arith.constant 0 : i32
      %dma_start3A_48 = tpu.memref_slice %arg4[%mul3A_45, %dma_start3A_47] : memref<12800x128xf32, #tpu.memory_space<hbm>> -> memref<400x128xf32, #tpu.memory_space<hbm>>
      tpu.enqueue_dma source(%arg5 : memref<400x128xf32, #tpu.memory_space<vmem>>) target(%dma_start3A_48 : memref<400x128xf32, #tpu.memory_space<hbm>>) target_semaphore(%run_scoped3A : memref<!tpu.dma_semaphore, #tpu.memory_space<semaphore_mem>>)
      %dma_wait3A = arith.constant 0 : i32
      %dma_wait3A_49 = tpu.memref_slice %arg4[%mul3A_45, %dma_wait3A] : memref<12800x128xf32, #tpu.memory_space<hbm>> -> memref<400x128xf32, #tpu.memory_space<hbm>>
      %dma_wait3A_50 = arith.constant 0 : i32
      %dma_wait3A_51 = tpu.memref_slice %arg4[%mul3A_45, %dma_wait3A_50] : memref<12800x128xf32, #tpu.memory_space<hbm>> -> memref<400x128xf32, #tpu.memory_space<hbm>>
      tpu.wait_dma2 semaphore(%run_scoped3A : memref<!tpu.dma_semaphore, #tpu.memory_space<semaphore_mem>>) src(%arg5 : memref<400x128xf32, #tpu.memory_space<vmem>>) dst(%dma_wait3A_51 : memref<400x128xf32, #tpu.memory_space<hbm>>)
      tpu.yield
    }) : () -> ()
    return
  }
}

#map = affine_map<(d0, d1) -> (0, 0)>
#map1 = affine_map<(d0, d1) -> (0)>
module attributes {stable_mosaic.version = 14 : i64} {
  func.func @_gather_body(%arg0: i32, %arg1: i32, %arg2: memref<1600x128xf32, #tpu.memory_space<hbm>>, %arg3: memref<1600000xi32, #tpu.memory_space<hbm>>, %arg4: memref<4x1600000xf32, #tpu.memory_space<hbm>>, %arg5: memref<6400000xf32, #tpu.memory_space<hbm>>, %arg6: memref<400x128xf32, #tpu.memory_space<vmem>>, %arg7: memref<6400xi32, #tpu.memory_space<vmem>>, %arg8: memref<4x6400xf32, #tpu.memory_space<vmem>>, %arg9: memref<6400xf32, #tpu.memory_space<vmem>>) attributes {dimension_semantics = [#tpu.dimension_semantics<core_parallel>, #tpu.dimension_semantics<subcore_parallel>], iteration_bounds = array<i64: 2, 16>, scalar_prefetch = 0 : i64, scratch_operands = 4 : i64, tpu.core_type = #tpu.core_type<sc_vector_subcore>, window_params = [{transform_indices = #map}, {transform_indices = #map1}, {transform_indices = #map}, {transform_indices = #map1}]} {
    %mul3A = arith.constant 2 : i32
    %mul3A_0 = arith.muli %arg1, %mul3A : i32
    %add3A = arith.addi %mul3A_0, %arg0 : i32
    %jit3A = arith.constant 8 : i32
    %div3A = arith.divsi %add3A, %jit3A : i32
    %sign3A = arith.constant 0 : i32
    %sign3A_1 = arith.cmpi sgt, %add3A, %sign3A : i32
    %sign3A_2 = arith.extui %sign3A_1 : i1 to i32
    %sign3A_3 = arith.constant 0 : i32
    %sign3A_4 = arith.cmpi slt, %add3A, %sign3A_3 : i32
    %sign3A_5 = arith.extui %sign3A_4 : i1 to i32
    %sign3A_6 = arith.subi %sign3A_2, %sign3A_5 : i32
    %sign3A_7 = arith.constant 0 : i32
    %sign3A_8 = arith.cmpi sgt, %jit3A, %sign3A_7 : i32
    %sign3A_9 = arith.extui %sign3A_8 : i1 to i32
    %sign3A_10 = arith.constant 0 : i32
    %sign3A_11 = arith.cmpi slt, %jit3A, %sign3A_10 : i32
    %sign3A_12 = arith.extui %sign3A_11 : i1 to i32
    %sign3A_13 = arith.subi %sign3A_9, %sign3A_12 : i32
    %ne3A = arith.cmpi ne, %sign3A_6, %sign3A_13 : i32
    %rem3A = arith.remsi %add3A, %jit3A : i32
    %ne3A_14 = arith.constant 0 : i32
    %ne3A_15 = arith.cmpi ne, %rem3A, %ne3A_14 : i32
    %and3A = arith.andi %ne3A, %ne3A_15 : i1
    %sub3A = arith.constant 1 : i32
    %sub3A_16 = arith.subi %div3A, %sub3A : i32
    %select_n3A = arith.select %and3A, %sub3A_16, %div3A : i32
    %jit3A_17 = arith.constant 8 : i32
    %eq3A = arith.constant 0 : i32
    %eq3A_18 = arith.cmpi eq, %jit3A_17, %eq3A : i32
    %jit3A_19 = arith.constant 1 : i32
    %select_n3A_20 = arith.select %eq3A_18, %jit3A_19, %jit3A_17 : i32
    %rem3A_21 = arith.remsi %add3A, %select_n3A_20 : i32
    %ne3A_22 = arith.constant 0 : i32
    %ne3A_23 = arith.cmpi ne, %rem3A_21, %ne3A_22 : i32
    %lt3A = arith.constant 0 : i32
    %lt3A_24 = arith.cmpi slt, %rem3A_21, %lt3A : i32
    %lt3A_25 = arith.constant 0 : i32
    %lt3A_26 = arith.cmpi slt, %select_n3A_20, %lt3A_25 : i32
    %ne3A_27 = arith.xori %lt3A_24, %lt3A_26 : i1
    %and3A_28 = arith.andi %ne3A_27, %ne3A_23 : i1
    %add3A_29 = arith.addi %rem3A_21, %select_n3A_20 : i32
    %select_n3A_30 = arith.select %and3A_28, %add3A_29, %rem3A_21 : i32
    %mul3A_31 = arith.constant 400 : i32
    %mul3A_32 = arith.muli %select_n3A, %mul3A_31 : i32
    "tpu.region"() ({
      %run_scoped3A = tpu.sem_alloc : memref<!tpu.dma_semaphore, #tpu.memory_space<semaphore_mem>>
      %dma_start3A = arith.constant 0 : i32
      %dma_start3A_39 = tpu.memref_slice %arg2[%mul3A_32, %dma_start3A] : memref<1600x128xf32, #tpu.memory_space<hbm>> -> memref<400x128xf32, #tpu.memory_space<hbm>>
      %dma_start3A_40 = arith.constant 0 : i32
      %dma_start3A_41 = tpu.memref_slice %arg2[%mul3A_32, %dma_start3A_40] : memref<1600x128xf32, #tpu.memory_space<hbm>> -> memref<400x128xf32, #tpu.memory_space<hbm>>
      tpu.enqueue_dma source(%dma_start3A_41 : memref<400x128xf32, #tpu.memory_space<hbm>>) target(%arg6 : memref<400x128xf32, #tpu.memory_space<vmem>>) target_semaphore(%run_scoped3A : memref<!tpu.dma_semaphore, #tpu.memory_space<semaphore_mem>>)
      %dma_wait3A = arith.constant 0 : i32
      %dma_wait3A_42 = tpu.memref_slice %arg2[%mul3A_32, %dma_wait3A] : memref<1600x128xf32, #tpu.memory_space<hbm>> -> memref<400x128xf32, #tpu.memory_space<hbm>>
      %dma_wait3A_43 = arith.constant 0 : i32
      %dma_wait3A_44 = tpu.memref_slice %arg2[%mul3A_32, %dma_wait3A_43] : memref<1600x128xf32, #tpu.memory_space<hbm>> -> memref<400x128xf32, #tpu.memory_space<hbm>>
      tpu.wait_dma2 semaphore(%run_scoped3A : memref<!tpu.dma_semaphore, #tpu.memory_space<semaphore_mem>>) src(%dma_wait3A_44 : memref<400x128xf32, #tpu.memory_space<hbm>>) dst(%arg6 : memref<400x128xf32, #tpu.memory_space<vmem>>)
      tpu.yield
    }) : () -> ()
    %scan3A = arith.constant 0 : i32
    %scan3A_33 = arith.constant 0 : i32
    %scan3A_34 = arith.constant 32 : i32
    %scan3A_35 = arith.addi %scan3A_33, %scan3A_34 : i32
    %scan3A_36 = arith.constant 1 : i32
    %scan3A_37 = scf.for %scan3A_39 = %scan3A_33 to %scan3A_35 step %scan3A_36 iter_args(%scan3A_40 = %scan3A) -> (i32)  : i32 {
      %mul3A_41 = arith.constant 8 : i32
      %mul3A_42 = arith.muli %scan3A_39, %mul3A_41 : i32
      %add3A_43 = arith.addi %select_n3A_30, %mul3A_42 : i32
      %lt3A_44 = arith.constant 250 : i32
      %lt3A_45 = arith.cmpi slt, %add3A_43, %lt3A_44 : i32
      %convert_element_type3A = arith.extui %lt3A_45 : i1 to i32
      %cond3A = arith.constant 0 : i32
      %cond3A_46 = arith.cmpi ne, %convert_element_type3A, %cond3A : i32
      scf.if %cond3A_46 {
        %mul3A_48 = arith.constant 6400 : i32
        %mul3A_49 = arith.muli %add3A_43, %mul3A_48 : i32
        "tpu.region"() ({
          %run_scoped3A = tpu.sem_alloc : memref<!tpu.dma_semaphore, #tpu.memory_space<semaphore_mem>>
          %dma_start3A = tpu.memref_slice %arg3[%mul3A_49] : memref<1600000xi32, #tpu.memory_space<hbm>> -> memref<6400xi32, #tpu.memory_space<hbm>>
          %dma_start3A_64 = tpu.memref_slice %arg3[%mul3A_49] : memref<1600000xi32, #tpu.memory_space<hbm>> -> memref<6400xi32, #tpu.memory_space<hbm>>
          tpu.enqueue_dma source(%dma_start3A_64 : memref<6400xi32, #tpu.memory_space<hbm>>) target(%arg7 : memref<6400xi32, #tpu.memory_space<vmem>>) target_semaphore(%run_scoped3A : memref<!tpu.dma_semaphore, #tpu.memory_space<semaphore_mem>>)
          %dma_wait3A = tpu.memref_slice %arg3[%mul3A_49] : memref<1600000xi32, #tpu.memory_space<hbm>> -> memref<6400xi32, #tpu.memory_space<hbm>>
          %dma_wait3A_65 = tpu.memref_slice %arg3[%mul3A_49] : memref<1600000xi32, #tpu.memory_space<hbm>> -> memref<6400xi32, #tpu.memory_space<hbm>>
          tpu.wait_dma2 semaphore(%run_scoped3A : memref<!tpu.dma_semaphore, #tpu.memory_space<semaphore_mem>>) src(%dma_wait3A_65 : memref<6400xi32, #tpu.memory_space<hbm>>) dst(%arg7 : memref<6400xi32, #tpu.memory_space<vmem>>)
          tpu.yield
        }) : () -> ()
        %mul3A_50 = arith.constant 6400 : i32
        %mul3A_51 = arith.muli %add3A_43, %mul3A_50 : i32
        "tpu.region"() ({
          %run_scoped3A = tpu.sem_alloc : memref<!tpu.dma_semaphore, #tpu.memory_space<semaphore_mem>>
          %dma_start3A = arith.constant 0 : i32
          %dma_start3A_64 = tpu.memref_slice %arg4[%dma_start3A, %mul3A_51] : memref<4x1600000xf32, #tpu.memory_space<hbm>> -> memref<4x6400xf32, #tpu.memory_space<hbm>>
          %dma_start3A_65 = arith.constant 0 : i32
          %dma_start3A_66 = tpu.memref_slice %arg4[%dma_start3A_65, %mul3A_51] : memref<4x1600000xf32, #tpu.memory_space<hbm>> -> memref<4x6400xf32, #tpu.memory_space<hbm>>
          tpu.enqueue_dma source(%dma_start3A_66 : memref<4x6400xf32, #tpu.memory_space<hbm>>) target(%arg8 : memref<4x6400xf32, #tpu.memory_space<vmem>>) target_semaphore(%run_scoped3A : memref<!tpu.dma_semaphore, #tpu.memory_space<semaphore_mem>>)
          %dma_wait3A = arith.constant 0 : i32
          %dma_wait3A_67 = tpu.memref_slice %arg4[%dma_wait3A, %mul3A_51] : memref<4x1600000xf32, #tpu.memory_space<hbm>> -> memref<4x6400xf32, #tpu.memory_space<hbm>>
          %dma_wait3A_68 = arith.constant 0 : i32
          %dma_wait3A_69 = tpu.memref_slice %arg4[%dma_wait3A_68, %mul3A_51] : memref<4x1600000xf32, #tpu.memory_space<hbm>> -> memref<4x6400xf32, #tpu.memory_space<hbm>>
          tpu.wait_dma2 semaphore(%run_scoped3A : memref<!tpu.dma_semaphore, #tpu.memory_space<semaphore_mem>>) src(%dma_wait3A_69 : memref<4x6400xf32, #tpu.memory_space<hbm>>) dst(%arg8 : memref<4x6400xf32, #tpu.memory_space<vmem>>)
          tpu.yield
        }) : () -> ()
        %scan3A_52 = arith.constant 0 : i32
        %scan3A_53 = arith.constant 0 : i32
        %scan3A_54 = arith.constant 400 : i32
        %scan3A_55 = arith.addi %scan3A_53, %scan3A_54 : i32
        %scan3A_56 = arith.constant 1 : i32
        %scan3A_57 = scf.for %scan3A_64 = %scan3A_53 to %scan3A_55 step %scan3A_56 iter_args(%scan3A_65 = %scan3A_52) -> (i32)  : i32 {
          %mul3A_66 = arith.constant 16 : i32
          %mul3A_67 = arith.muli %scan3A_64, %mul3A_66 : i32
          %get3A = arith.index_cast %mul3A_67 : i32 to index
          %get3A_68 = tpu.vector_load %arg7[%get3A] {strides = array<i32>} : memref<6400xi32, #tpu.memory_space<vmem>>, vector<16xi32>,
          %shift_right_arithmetic3A = arith.constant 7 : i32
          %shift_right_arithmetic3A_69 = vector.broadcast %shift_right_arithmetic3A : i32 to vector<16xi32>
          %shift_right_arithmetic3A_70 = arith.shrsi %get3A_68, %shift_right_arithmetic3A_69 : vector<16xi32>
          %and3A_71 = arith.constant 127 : i32
          %and3A_72 = vector.broadcast %and3A_71 : i32 to vector<16xi32>
          %and3A_73 = arith.andi %get3A_68, %and3A_72 : vector<16xi32>
          %gather3A = tpu.vector_load_idx %arg6[%shift_right_arithmetic3A_70, %and3A_73] : memref<400x128xf32, #tpu.memory_space<vmem>>[vector<16xi32>, vector<16xi32>], vector<16xf32>,
          %mul3A_74 = arith.constant 16 : i32
          %mul3A_75 = arith.muli %scan3A_64, %mul3A_74 : i32
          %get3A_76 = arith.index_cast %select_n3A : i32 to index
          %get3A_77 = arith.index_cast %mul3A_75 : i32 to index
          %get3A_78 = tpu.vector_load %arg8[%get3A_76, %get3A_77] {strides = array<i32>} : memref<4x6400xf32, #tpu.memory_space<vmem>>, vector<16xf32>,
          %mul3A_79 = arith.mulf %gather3A, %get3A_78 : vector<16xf32>
          %mul3A_80 = arith.constant 16 : i32
          %mul3A_81 = arith.muli %scan3A_64, %mul3A_80 : i32
          %swap3A = arith.index_cast %mul3A_81 : i32 to index
          %swap3A_82 = tpu.vector_load %arg9[%swap3A] {strides = array<i32>} : memref<6400xf32, #tpu.memory_space<vmem>>, vector<16xf32>,
          tpu.vector_store %arg9[%swap3A], %mul3A_79 {strides = array<i32>} : memref<6400xf32, #tpu.memory_space<vmem>>, vector<16xf32>,
          %scan3A_83 = arith.constant 0 : i32
          scf.yield %scan3A_83 : i32
        }
        %scan3A_58 = arith.constant 400 : i32
        %mul3A_59 = arith.constant 1600000 : i32
        %mul3A_60 = arith.muli %select_n3A, %mul3A_59 : i32
        %mul3A_61 = arith.constant 6400 : i32
        %mul3A_62 = arith.muli %add3A_43, %mul3A_61 : i32
        %add3A_63 = arith.addi %mul3A_60, %mul3A_62 : i32
        "tpu.region"() ({
          %run_scoped3A = tpu.sem_alloc : memref<!tpu.dma_semaphore, #tpu.memory_space<semaphore_mem>>
          %dma_start3A = tpu.memref_slice %arg5[%add3A_63] : memref<6400000xf32, #tpu.memory_space<hbm>> -> memref<6400xf32, #tpu.memory_space<hbm>>
          %dma_start3A_64 = tpu.memref_slice %arg5[%add3A_63] : memref<6400000xf32, #tpu.memory_space<hbm>> -> memref<6400xf32, #tpu.memory_space<hbm>>
          tpu.enqueue_dma source(%arg9 : memref<6400xf32, #tpu.memory_space<vmem>>) target(%dma_start3A_64 : memref<6400xf32, #tpu.memory_space<hbm>>) target_semaphore(%run_scoped3A : memref<!tpu.dma_semaphore, #tpu.memory_space<semaphore_mem>>)
          %dma_wait3A = tpu.memref_slice %arg5[%add3A_63] : memref<6400000xf32, #tpu.memory_space<hbm>> -> memref<6400xf32, #tpu.memory_space<hbm>>
          %dma_wait3A_65 = tpu.memref_slice %arg5[%add3A_63] : memref<6400000xf32, #tpu.memory_space<hbm>> -> memref<6400xf32, #tpu.memory_space<hbm>>
          tpu.wait_dma2 semaphore(%run_scoped3A : memref<!tpu.dma_semaphore, #tpu.memory_space<semaphore_mem>>) src(%arg9 : memref<6400xf32, #tpu.memory_space<vmem>>) dst(%dma_wait3A_65 : memref<6400xf32, #tpu.memory_space<hbm>>)
          tpu.yield
        }) : () -> ()
      } else {
      }
      %scan3A_47 = arith.constant 0 : i32
      scf.yield %scan3A_47 : i32
    }
    %scan3A_38 = arith.constant 32 : i32
    return
  }
}

module attributes {stable_mosaic.version = 14 : i64} {
  func.func @_inv_body(%arg0: memref<12800x128xf32, #tpu.memory_space<vmem>>, %arg1: memref<1600x128xf32, #tpu.memory_space<vmem>>) attributes {dimension_semantics = [], scalar_prefetch = 0 : i64, scratch_operands = 0 : i64, tpu.core_type = #tpu.core_type<tc>} {
    %get3A = arith.constant 0 : index
    %get3A_0 = arith.constant 0 : index
    %get3A_1 = vector.load %arg0[%get3A, %get3A_0] : memref<12800x128xf32, #tpu.memory_space<vmem>>, vector<12800x128xf32>
    %reshape3A = vector.shape_cast %get3A_1 : vector<12800x128xf32> to vector<4x8x400x128xf32>
    %reduce_sum3A = arith.constant dense<0.000000e+00> : vector<4x400x128xf32>
    %reduce_sum3A_2 = vector.multi_reduction <add>, %reshape3A, %reduce_sum3A [1] : vector<4x8x400x128xf32> to vector<4x400x128xf32>
    %add3A = arith.constant 1.000000e-16 : f32
    %add3A_3 = vector.broadcast %add3A : f32 to vector<4x400x128xf32>
    %add3A_4 = arith.addf %reduce_sum3A_2, %add3A_3 : vector<4x400x128xf32>
    %div3A = arith.constant 1.000000e+00 : f32
    %div3A_5 = vector.broadcast %div3A : f32 to vector<4x400x128xf32>
    %div3A_6 = arith.divf %div3A_5, %add3A_4 : vector<4x400x128xf32>
    %reshape3A_7 = vector.shape_cast %div3A_6 : vector<4x400x128xf32> to vector<1600x128xf32>
    %swap3A = arith.constant 0 : index
    %swap3A_8 = arith.constant 0 : index
    %swap3A_9 = vector.load %arg1[%swap3A, %swap3A_8] : memref<1600x128xf32, #tpu.memory_space<vmem>>, vector<1600x128xf32>
    tpu.vector_store %arg1[%swap3A, %swap3A_8], %reshape3A_7 {strides = array<i32>} : memref<1600x128xf32, #tpu.memory_space<vmem>>, vector<1600x128xf32>,
    return
  }
}

module attributes {stable_mosaic.version = 14 : i64} {
  func.func @_score_body(%arg0: i32, %arg1: memref<32x32000xf32, #tpu.memory_space<vmem>>, %arg2: memref<32x32000xf32, #tpu.memory_space<vmem>>, %arg3: memref<32x1xf32, #tpu.memory_space<vmem>>, %arg4: memref<32x1xf32, #tpu.memory_space<vmem>>, %arg5: memref<4x32xbf16, #tpu.memory_space<vmem>>, %arg6: memref<4x32000xf32, #tpu.memory_space<vmem>>) attributes {dimension_semantics = [#tpu.dimension_semantics<arbitrary>], iteration_bounds = array<i64: 50>, scalar_prefetch = 0 : i64, scratch_operands = 0 : i64, tpu.core_type = #tpu.core_type<tc>, window_params = [{transform_indices = @transform_0, window_bounds = array<i64: 32, 32000>}, {transform_indices = @transform_1, window_bounds = array<i64: 32, 32000>}, {pipeline_mode = #tpu.pipeline_mode<synchronous>, transform_indices = @transform_2, window_bounds = array<i64: 32, 1>}, {pipeline_mode = #tpu.pipeline_mode<synchronous>, transform_indices = @transform_3, window_bounds = array<i64: 32, 1>}, {pipeline_mode = #tpu.pipeline_mode<synchronous>, transform_indices = @transform_4, window_bounds = array<i64: 4, 32>}, {transform_indices = @transform_5, window_bounds = array<i64: 4, 32000>}]} {
    %get3A = arith.constant 0 : index
    %get3A_0 = arith.constant 0 : index
    %get3A_1 = vector.load %arg1[%get3A, %get3A_0] : memref<32x32000xf32, #tpu.memory_space<vmem>>, vector<32x32000xf32>
    %get3A_2 = arith.constant 0 : index
    %get3A_3 = arith.constant 0 : index
    %get3A_4 = vector.load %arg3[%get3A_2, %get3A_3] : memref<32x1xf32, #tpu.memory_space<vmem>>, vector<32x1xf32>
    %mul3A = vector.broadcast %get3A_4 : vector<32x1xf32> to vector<32x32000xf32>
    %mul3A_5 = arith.mulf %get3A_1, %mul3A : vector<32x32000xf32>
    %get3A_6 = arith.constant 0 : index
    %get3A_7 = arith.constant 0 : index
    %get3A_8 = vector.load %arg2[%get3A_6, %get3A_7] : memref<32x32000xf32, #tpu.memory_space<vmem>>, vector<32x32000xf32>
    %get3A_9 = arith.constant 0 : index
    %get3A_10 = arith.constant 0 : index
    %get3A_11 = vector.load %arg4[%get3A_9, %get3A_10] : memref<32x1xf32, #tpu.memory_space<vmem>>, vector<32x1xf32>
    %mul3A_12 = vector.broadcast %get3A_11 : vector<32x1xf32> to vector<32x32000xf32>
    %mul3A_13 = arith.mulf %get3A_8, %mul3A_12 : vector<32x32000xf32>
    %add3A = arith.addf %mul3A_5, %mul3A_13 : vector<32x32000xf32>
    %convert_element_type3A = arith.truncf %add3A : vector<32x32000xf32> to vector<32x32000xbf16>
    %convert_element_type3A_14 = arith.extf %convert_element_type3A : vector<32x32000xbf16> to vector<32x32000xf32>
    %sub3A = arith.subf %add3A, %convert_element_type3A_14 : vector<32x32000xf32>
    %convert_element_type3A_15 = arith.truncf %sub3A : vector<32x32000xf32> to vector<32x32000xbf16>
    %get3A_16 = arith.constant 0 : index
    %get3A_17 = arith.constant 0 : index
    %get3A_18 = vector.load %arg5[%get3A_16, %get3A_17] : memref<4x32xbf16, #tpu.memory_space<vmem>>, vector<4x32xbf16>
    %dot_general3A = arith.constant dense<0.000000e+00> : vector<4x32000xf32>
    %dot_general3A_19 = tpu.matmul %get3A_18, %convert_element_type3A, %dot_general3A {dimension_numbers = #tpu.dot_dimension_numbers<[1], [0], [0], [1], [0, 0, 1, 1], [], []>, transpose_lhs_hint = false} : vector<4x32xbf16>, vector<32x32000xbf16>, vector<4x32000xf32> -> vector<4x32000xf32>
    %dot_general3A_20 = arith.constant dense<0.000000e+00> : vector<4x32000xf32>
    %dot_general3A_21 = tpu.matmul %get3A_18, %convert_element_type3A_15, %dot_general3A_20 {dimension_numbers = #tpu.dot_dimension_numbers<[1], [0], [0], [1], [0, 0, 1, 1], [], []>, transpose_lhs_hint = false} : vector<4x32xbf16>, vector<32x32000xbf16>, vector<4x32000xf32> -> vector<4x32000xf32>
    %add3A_22 = arith.addf %dot_general3A_19, %dot_general3A_21 : vector<4x32000xf32>
    %max3A = arith.constant 0.000000e+00 : f32
    %max3A_23 = vector.broadcast %max3A : f32 to vector<4x32000xf32>
    %max3A_24 = arith.maximumf %add3A_22, %max3A_23 : vector<4x32000xf32>
    %exp3A = math.exp %max3A_24 : vector<4x32000xf32>
    %swap3A = arith.constant 0 : index
    %swap3A_25 = arith.constant 0 : index
    %swap3A_26 = vector.load %arg6[%swap3A, %swap3A_25] : memref<4x32000xf32, #tpu.memory_space<vmem>>, vector<4x32000xf32>
    tpu.vector_store %arg6[%swap3A, %swap3A_25], %exp3A {strides = array<i32>} : memref<4x32000xf32, #tpu.memory_space<vmem>>, vector<4x32000xf32>,
    return
  }
  func.func @transform_0(%arg0: i32) -> (i32, i32) {
    %c0_i32 = arith.constant 0 : i32
    %c0_i32_0 = arith.constant 0 : i32
    return %c0_i32, %arg0 : i32, i32
  }
  func.func @transform_1(%arg0: i32) -> (i32, i32) {
    %c0_i32 = arith.constant 0 : i32
    %c0_i32_0 = arith.constant 0 : i32
    return %c0_i32, %arg0 : i32, i32
  }
  func.func @transform_2(%arg0: i32) -> (i32, i32) {
    %c0_i32 = arith.constant 0 : i32
    %c0_i32_0 = arith.constant 0 : i32
    %c0_i32_1 = arith.constant 0 : i32
    return %c0_i32, %c0_i32_0 : i32, i32
  }
  func.func @transform_3(%arg0: i32) -> (i32, i32) {
    %c0_i32 = arith.constant 0 : i32
    %c0_i32_0 = arith.constant 0 : i32
    %c0_i32_1 = arith.constant 0 : i32
    return %c0_i32, %c0_i32_0 : i32, i32
  }
  func.func @transform_4(%arg0: i32) -> (i32, i32) {
    %c0_i32 = arith.constant 0 : i32
    %c0_i32_0 = arith.constant 0 : i32
    %c0_i32_1 = arith.constant 0 : i32
    return %c0_i32, %c0_i32_0 : i32, i32
  }
  func.func @transform_5(%arg0: i32) -> (i32, i32) {
    %c0_i32 = arith.constant 0 : i32
    %c0_i32_0 = arith.constant 0 : i32
    return %c0_i32, %arg0 : i32, i32
  }
}

</mosaic_0001>

<sc_bundles>
// kernel: kernel.6.cloned.1.call-start
scs
__scs_entry_jumppad:
0x0: {  	(pc) =	sbr.rel $0x88, $3  }
0x1: {  	(tag) =	ssettag $0x0;
	lr =	simm.s32 $0x1  }
0x2: {  	[smem:$0x3F9D] =	sst lr;
	_ =	strace $0xD0000000  }
0x3: {  	_ = 	snop  }
0x4: {  	_ = 	snop  }
0x5: {  	_ = 	snop  }
0x6: {  	_ = 	snop  }
0x7: {  	_ = 	snop  }
__scs_overlays_trampoline_lowered:
0x8: {  	[smem:$0x3FAC] =	sst s0  }
0x9: {  	[smem:$0x3FAD] =	sst s1  }
0xa: {  	[smem:$0x3FAE] =	sst s2  }
0xb: {  	[smem:$0x3FAF] =	sst s3  }
0xc: {  	[smem:$0x3FB0] =	sst s4  }
0xd: {  	[smem:$0x3FB1] =	sst s5  }
0xe: {  	[smem:$0x3FB2] =	sst s6  }
0xf: {  	[smem:$0x3FB3] =	sst s7  }
0x10: {  	[smem:$0x3FB4] =	sst s8  }
0x11: {  	[smem:$0x3FB5] =	sst s9;
	s0 =	simm.s32 @!p0 $0x0  }
0x12: {  	s1 =	sld [smem:$0x3F9B];
	s0 =	simm.s32 @p0 $0x1  }
0x13: {  	[smem:$0x3FB6] =	sst s0;
	s0 =	simm.s32 @!p1 $0x0  }
0x14: {  	s2 =	sld [smem:$0x3F9A];
	s0 =	simm.s32 @p1 $0x1  }
0x15: {  	[smem:$0x3FB7] =	sst s0;
	s0 =	simm.s32 @!p2 $0x0  }
0x16: {  	s3 =	sld [smem:$0x3FDB];
	s0 =	simm.s32 @p2 $0x1  }
0x17: {  	s4 =	simm.s32 $0x1BF5;
	[smem:$0x3FB9] =	sst s0  }
0x18: {  	s0 =	sld [smem:$0x3F9C];
	_ =	swait.ge [sflag:s4], $0x0  }
0x19: {  	s7 =	sld [smem:$0x3F9D]  }
0x1a: {  	s8 =	sadd.s32 $0xFFFFE003, lr  }
0x1b: {  	s9 =	sadd.s32 $0xFFFFFEF7, lr;
	s5 =	simm.s32 $0xFFFFFFFF;
	p2 =	slt.u32 s8, $0xFFFFF086  }
0x1c: {  	p1 =	slt.u32 s9, $0xF7A;
	s5 =	simm.s32 @!p2 $0x0  }
0x1d: {  	s5 =	simm.s32 @p1 $0x1;
	p0 =	seq.s32 s7, s2  }
0x1e: {  	s7 =	smul.u32 @!p0 $0xF7A, s2;
	p2 =	seq.s32 @!p0 s5, $0x0  }
0x1f: {  	s9 =	smul.u32 $0xF7A, s1;
	s8 =	simm.s32 @!p0 $0x1BF5;
	p2 =	por !p2, p0  }
0x20: {  	[sflag:s8] =	ssyncset.s32 @!p0 $0xFFFFF086;
	s6 =	sadd.s32 @!p0 s3, s7;
	s7 =	simm.s32 @!p0 $0x108  }
0x21: {  	s3 =	sadd.s32 s3, s9;
	s6 =	sadd.s32 @!p0 $0x88, s6;
	s7 =	simm.s32 @p2 $0x1082  }
0x22: {  	[simem:s7], [sflag:s8] =	dma.local @!p0 [hbm:s6], $0xF7A  }
0x23: {  	s9 =	sor.u32 $0xD0000000, s2;
	s6 =	simm.s32 $0x108;
	_ =	swait.ge @!p0 [sflag:s8], $0x0  }
0x24: {  	s3 =	sadd.s32 $0x88, s3;
	s6 =	simm.s32 @!p1 $0x1082;
	[sflag:s4] =	ssyncset.s32 $0xFFFFF086  }
0x25: {  	[simem:s6], [sflag:s4] =	dma.local [hbm:s3], $0xF7A  }
0x26: {  	[smem:$0x3F9D] =	sst s1;
	(tag) =	ssettag s2;
	_ =	strace s9  }
0x27: {  	s1 =	sld [smem:$0x3FAD]  }
0x28: {  	s2 =	sld [smem:$0x3FAE]  }
0x29: {  	s4 =	sld [smem:$0x3FB0]  }
0x2a: {  	p0 =	seq.s32 s5, $0x0;
	s5 =	sld [smem:$0x3FB1]  }
0x2b: {  	s6 =	sld [smem:$0x3FB2]  }
0x2c: {  	s7 =	sld [smem:$0x3FB3]  }
0x2d: {  	s3 =	simm.s32 $0x108;
	s8 =	sld [smem:$0x3FB4]  }
0x2e: {  	s3 =	simm.s32 @!p0 $0x1082;
	s9 =	sld [smem:$0x3FB5]  }
0x2f: {  	lr =	sadd.s32 s0, s3;
	s0 =	sld [smem:$0x3FAC]  }
0x30: {  	s3 =	sld [smem:$0x3FAF]  }
0x31: {  	[smem:$0x3FB8] =	sst s10  }
0x32: {  	s10 =	sld [smem:$0x3FB6];
	_ =	sdelay $0x3  }
0x33: {  	p0 =	seq.s32 s10, $0x1;
	s10 =	sld [smem:$0x3FB8];
	_ =	sdelay $0x3  }
0x34: {  	[smem:$0x3FB8] =	sst s10  }
0x35: {  	s10 =	sld [smem:$0x3FB7];
	_ =	sdelay $0x3  }
0x36: {  	p1 =	seq.s32 s10, $0x1;
	s10 =	sld [smem:$0x3FB8];
	_ =	sdelay $0x3  }
0x37: {  	[smem:$0x3FB8] =	sst s10  }
0x38: {  	s10 =	sld [smem:$0x3FB9]  }
0x39: {  	_ = 	snop;
	(pc) =	sbr.ind lr, $3  }
0x3a: {  	_ = 	snop  }
0x3b: {  	_ = 	snop  }
0x3c: {  	p2 =	seq.s32 s10, $0x1;
	s10 =	sld [smem:$0x3FB8]  }
0x3d: {  	_ =	shalt  }
0x3e: {  	_ =	shalt  }
0x3f: {  	_ =	shalt  }
0x40: {  	_ =	shalt  }
0x41: {  	_ =	shalt  }
0x42: {  	_ =	shalt  }
0x43: {  	_ =	shalt  }
0x44: {  	_ =	shalt  }
0x45: {  	_ =	shalt  }
0x46: {  	_ =	shalt  }
0x47: {  	_ =	shalt  }
0x48: {  	_ =	shalt  }
0x49: {  	_ =	shalt  }
0x4a: {  	_ =	shalt  }
0x4b: {  	_ =	shalt  }
0x4c: {  	_ =	shalt  }
0x4d: {  	_ =	shalt  }
0x4e: {  	_ =	shalt  }
0x4f: {  	_ =	shalt  }
0x50: {  	_ =	shalt  }
0x51: {  	_ =	shalt  }
0x52: {  	_ =	shalt  }
0x53: {  	_ =	shalt  }
0x54: {  	_ =	shalt  }
0x55: {  	_ =	shalt  }
0x56: {  	_ =	shalt  }
0x57: {  	_ =	shalt  }
0x58: {  	_ =	shalt  }
0x59: {  	_ =	shalt  }
0x5a: {  	_ =	shalt  }
0x5b: {  	_ =	shalt  }
0x5c: {  	_ =	shalt  }
0x5d: {  	_ =	shalt  }
0x5e: {  	_ =	shalt  }
0x5f: {  	_ =	shalt  }
0x60: {  	_ =	shalt  }
0x61: {  	_ =	shalt  }
0x62: {  	_ =	shalt  }
0x63: {  	_ =	shalt  }
0x64: {  	_ =	shalt  }
0x65: {  	_ =	shalt  }
0x66: {  	_ =	shalt  }
0x67: {  	_ =	shalt  }
0x68: {  	_ =	shalt  }
0x69: {  	_ =	shalt  }
0x6a: {  	_ =	shalt  }
0x6b: {  	_ =	shalt  }
0x6c: {  	_ =	shalt  }
0x6d: {  	_ =	shalt  }
0x6e: {  	_ =	shalt  }
0x6f: {  	_ =	shalt  }
0x70: {  	_ =	shalt  }
0x71: {  	_ =	shalt  }
0x72: {  	_ =	shalt  }
0x73: {  	_ =	shalt  }
0x74: {  	_ =	shalt  }
0x75: {  	_ =	shalt  }
0x76: {  	_ =	shalt  }
0x77: {  	_ =	shalt  }
0x78: {  	_ =	shalt  }
0x79: {  	_ =	shalt  }
0x7a: {  	_ =	shalt  }
0x7b: {  	_ =	shalt  }
0x7c: {  	_ =	shalt  }
0x7d: {  	_ =	shalt  }
0x7e: {  	_ =	shalt  }
0x7f: {  	_ =	shalt  }
0x80: {  	_ =	shalt  }
0x81: {  	_ =	shalt  }
0x82: {  	_ =	shalt  }
0x83: {  	_ =	shalt  }
0x84: {  	_ =	shalt  }
0x85: {  	_ =	shalt  }
0x86: {  	_ =	shalt  }
0x87: {  	_ =	shalt  }
.Lfunc_end0:
.L_simem_size_0:
called_computation_lowered:
.L_overlay_start_0:
0x88: {  	s2 =	sld [smem:$0x3FD9]  }
0x89: {  	s3 =	sld [smem:$0x3FFE];
	_ =	sdelay $0x1  }
0x8a: {  	s1 =	srdreg.scid  }
0x8b: {  	s0 =	sand.u32 $0x1, s1  }
0x8c: {  	s17 =	sshll.u32 s0, $0xA;
	s2 =	sadd.s32 s3, s2  }
0x8d: {  	s2 =	sadd.s32 s2, s17  }
0x8e: {  	[smem:$0x3FC4] =	sst s2  }
0x8f: {  	_ = 	snop  }
0x90: {  	s2 =	sld [smem:$0x3FC6]  }
0x91: {  	s18 =	sld [smem:$0x3FD0];
	(tm) =	ssettm $0x1  }
0x92: {  	s4 =	sld [smem:$0x3FFB];
	_ =	sdelay $0x3  }
0x93: {  	_ =	strace s4  }
0x94: {  	s4 =	sld [smem:$0x3FFC];
	_ =	sdelay $0x3  }
0x95: {  	_ =	strace s4  }
0x96: {  	s4 =	sld [smem:$0x3FFD];
	_ =	sdelay $0x3  }
0x97: {  	_ =	strace s4  }
0x98: {  	_ =	strace $0x8FFFFFFF  }
0x99: {  	s19 =	sld [smem:$0x3FDB];
	_ =	sdelay $0x1  }
0x9a: {  	s5 =	simm.s32 $_scs_section_size  }
0x9b: {  	s6 =	simm.s32 $_size__tile_overlayer_lowered;
	s7 =	simm.s32 $_tile_overlayer_lowered  }
0x9c: {  	s22 =	simm.s32 $0x1BFF;
	s21 =	sshll.u32 s7, $0x1;
	s4 =	sadd.s32 s5, s19  }
0x9d: {  	s8 =	simm.s32 $0x0;
	s20 =	sshll.u32 s6, $0x1;
	s6 =	sadd.s32 s21, s4  }
0x9e: {  	[timem:s8], [sflag:s22] =	dma.local [hbm:s6], s20  }
0x9f: {  	_ =	swait.ge [sflag:s22], s20  }
0xa0: {  	s5 =	ssub.s32 $0x0, s20;
	[sflag:s22] =	ssyncset.done $0x0  }
0xa1: {  	[sflag:s22] =	ssyncadd.s32 s5;
	_ =	sdelay $0x1  }
0xa2: {  	s23 =	simm.s32 $0x1B8B  }
0xa3: {  	_ =	swait.ge [sflag:s23], $0x1  }
0xa4: {  	[sflag:s23] =	ssyncset.done $0x0  }
0xa5: {  	s25 =	simm.s32 $0x1B8E;
	s24 =	sld [smem:$0x3FFE];
	[sflag:s23] =	ssyncadd.s32 $0xFFFFFFFF  }
0xa6: {  	s26 =	simm.s32 $execute0_lowered;
	[smem:$0x3FD2] =	sst s25  }
0xa7: {  	s6 =	sshll.u32 s26, $0x1;
	_ =	strace $0x80000046;
	[dreg:$0x1] =	wrdreg $0xFFFFFFFF  }
0xa8: {  	s28 =	simm.s32 $_size_execute0_lowered;
	s4 =	sadd.s32 s4, s6;
	[dreg:$0x0] =	wrdreg $0x0  }
0xa9: {  	s6 =	sshll.u32 s28, $0x1;
	[dreg:$0x2] =	wrdreg s4  }
0xaa: {  	[dreg:$0x3] =	wrdreg s6  }
0xab: {  	[dreg:$0x4] =	wrdreg $0xC0  }
0xac: {  	_ =	task [dreg:s8], $0x5FFFF  }
0xad: {  	[dreg:$0x1] =	wrdreg $0xFFFFFFFF  }
0xae: {  	[dreg:$0x0] =	wrdreg $0x60  }
0xaf: {  	[dreg:$0x2] =	wrdreg s24  }
0xb0: {  	[dreg:$0x3] =	wrdreg s2  }
0xb1: {  	[dreg:$0x4] =	wrdreg s18  }
0xb2: {  	[dreg:$0x5] =	wrdreg $0x9  }
0xb3: {  	_ =	task.clear_ibuf [dreg:s8], $0x6FFFF;
	_ =	strace $0x90000046  }
0xb4: {  	s29 =	simm.s32 $0x9;
	_ =	strace $0x80000048  }
0xb5: {  	_ =	swait.ge [sflag:s29], $0x1  }
0xb6: {  	[sflag:s29] =	ssyncadd.s32 $0xFFFFFFFF  }
0xb7: {  	_ =	strace $0x90000048  }
0xb8: {  	_ =	sfence  }
0xb9: {  	s30 =	sld [smem:$0x0];
	_ =	sdelay $0x2  }
0xba: {  	s31 =	sshll.u32 s1, $0xD;
	s1 =	sshrl.u32 s1, $0x2  }
0xbb: {  	s3 =	sand.u32 $0x4000, s31;
	s1 =	sadd.s32 s1, s30  }
0xbc: {  	s0 =	sor.u32 s3, s0;
	s1 =	sshll.u32 s1, $0x11  }
0xbd: {  	s0 =	sor.u32 s1, s0  }
0xbe: {  	s0 =	sadd.s32 $0x8F2B, s0  }
0xbf: {  	[sflag:s0] =	ssyncadd.remote.s32 $0x1  }
0xc0: {  	_ =	sfence.sel $0xFFFF  }
0xc1: {  	[dreg:$0x0] =	wrdreg $0xFFFFFFFF;
	(pc) =	sbr.abs _section_cstart, $3  }
0xc2: {  	[dreg:$0x1] =	wrdreg $0xFFFFFFFF  }
0xc3: {  	_ =	task.clear_ibuf [dreg:s8], $0x2FFFF;
	_ =	strace $0x9FFFFFFF  }
0xc4: {  	(tm) =	ssettm $0x7FFFFFFF  }
0xc5: {  	_ =	shalt  }
tec
execute0_lowered:
.L_overlay_start_1:
0x0: {  	(tag) =	ssettag $0x1  }
0x1: {  	s4 =	rddreg [dreg:$0x0]  }
0x2: {  	s1 =	rddreg [dreg:$0x1]  }
0x3: {  	s7 =	rddreg [dreg:$0x2]  }
0x4: {  	s0 =	rddreg [dreg:$0x3]  }
0x5: {  	s3 =	simm.s32 $0x0;
	s5 =	srdreg.scid;
	s2 =	stileid.u32  }
0x6: {  	s11 =	simm.s32 $0xE100;
	s12 =	simm.s32 $0x0;
	[smem:$0x7FF] =	sst s3  }
0x7: {  	s4 =	sadd.s32 $0x1000, s4;
	s5 =	sand.u32 $0x1, s5;
	s6 =	sshll.u32 s2, $0x1  }
.Ltmp0:
0x8: {  	s31 =	sshll.u32 s2, $0x5;
	_ =	strace $0x80000047;
	(pc) =	sbr.rel .LBB2_1-.Ltmp0, $4  }
0x9: {  	s8 =	ssub.s32 $0x2, s5;
	s5 =	sor.u32 s5, s6;
	s6 =	sand.u32 $0x180, s31  }
0xa: {  	s9 =	sshrl.u32 s8, $0x1;
	s10 =	smul.u32 $0x1900, s5;
	s5 =	sand.u32 $0x7, s5  }
0xb: {  	s6 =	sadd.s32 $0xE100, s6;
	s8 =	ssub.s32 s8, s9;
	s9 =	simm.s32 $0xC800  }
0xc: {  	v0 =	vimm.f32 $0.0e+00;
	s7 =	sadd.s32 s7, s10;
	s8 =	smax.u32 s8, $0x1;
	s10 =	simm.s32 $0x1  }
.LBB2_9:
0xd: {  	s12 =	sadd.s32 $0x1, s12  }
0xe: {  	p0 =	sne.s32 s12, s8  }
.Ltmp1:
0xf: {  	_ = 	snop;
	(pc) =	sbr.rel @!p0 .LBB2_10-.Ltmp1, $4  }
0x10: {  	[hbm4b:s7+s3] =	stream.linear.scatter [tilespmem:s3], [sflag:$0x1], $0xC800, $0x38;
	[tilespmem:$0x14500] =	vst v63  }
0x11: {  	_ =	swait.ge [sflag:s10], $0xC800  }
0x12: {  	[sflag:s10] =	ssyncset.done $0x0  }
0x13: {  	[sflag:s10] =	ssyncadd.s32 $0xFFFF3800  }
.LBB2_1:
0x14: {  	s13 =	simm.s32 $0x0  }
.LBB2_2:
0x15: {  	p0 =	sne.s32 s13, $0xC7F0  }
.Ltmp2:
0x16: {  	_ = 	snop;
	(pc) =	sbr.rel @p0 .LBB2_2-.Ltmp2, $3  }
0x17: {  	_ =	sdelay $0x1  }
0x18: {  	s14 =	sand.u32 $0xFFF0, s13  }
0x19: {  	s13 =	sadd.s32 $0x10, s13;
	[tilespmem:s14+$0x0] =	vst v0  }
.Ltmp3:
0x1a: {  	(pc) =	sbr.rel .LBB2_4-.Ltmp3, $2  }
0x1b: {  	_ =	sdelay $0x2  }
0x1c: {  	s13 =	simm.s32 $0x0  }
.LBB2_8:
0x1d: {  	s13 =	sadd.s32 $0x1, s13  }
0x1e: {  	p0 =	sne.s32 s13, $0x20  }
.Ltmp4:
0x1f: {  	_ = 	snop;
	(pc) =	sbr.rel @!p0 .LBB2_9-.Ltmp4, $1  }
0x20: {  	_ =	sdelay $0x3  }
.LBB2_4:
0x21: {  	s14 =	sshll.u32 s13, $0x3  }
0x22: {  	s15 =	sor.u32 s5, s14  }
0x23: {  	p0 =	sgt.u32 s15, $0xF9  }
.Ltmp5:
0x24: {  	_ = 	snop;
	(pc) =	sbr.rel @p0 .LBB2_8-.Ltmp5, $1  }
0x25: {  	_ =	sdelay $0x3  }
0x26: {  	s14 =	smul.u32 $0x320, s15;
	_ =	sdelay $0x1  }
0x27: {  	s16 =	sadd.s32 s1, s14;
	s14 =	simm.s32 $0x0  }
0x28: {  	[tilespmem:s9], [sflag:$0x1] =	stream.linear.gather [hbm4b:s16+s14], $0x1900, $0x38;
	[tilespmem:$0x14500] =	vst v63  }
0x29: {  	s31 =	smul.u32 $0xC80, s15;
	_ =	swait.ge [sflag:s10], $0x1900  }
0x2a: {  	[sflag:s10] =	ssyncset.done $0x0  }
0x2b: {  	s15 =	sadd.s32 s4, s31;
	[sflag:s10] =	ssyncadd.s32 $0xFFFFE700  }
0x2c: {  	[tilespmem:s11], [sflag:$0x1] =	stream.linear.gather [hbm4b:s15+s14], $0x6400, $0x38;
	[tilespmem:$0x14500] =	vst v63  }
0x2d: {  	_ =	swait.ge [sflag:s10], $0x6400  }
0x2e: {  	s17 =	simm.s32 $0x0;
	[sflag:s10] =	ssyncset.done $0x0  }
0x2f: {  	s16 =	simm.s32 $0x10;
	s15 =	simm.s32 $0x0;
	[sflag:s10] =	ssyncadd.s32 $0xFFFF9C00  }
.LBB2_6:
0x30: {  	p0 =	sne.s32 s16, $0x18F0;
	v1 =	vld [tilespmem:s17+$0xC800];
	s17 =	sand.u32 $0x7E00, s14  }
0x31: {  	s18 =	sand.u32 $0x70, s15;
	s15 =	smov.u32 s16;
	s17 =	sadd.s32 s17, s6  }
0x32: {  	s17 =	sadd.s32 s18, s17  }
0x33: {  	v2 =	vld [tilespmem:s17+$0x0]  }
.Ltmp6:
0x34: {  	(pc) =	sbr.rel @p0 .LBB2_6-.Ltmp6, $3  }
0x35: {  	_ =	sdelay $0x1  }
0x36: {  	s14 =	sadd.s32 $0x40, s14  }
0x37: {  	s16 =	sadd.s32 $0x10, s16;
	s17 =	sshra.s32 s14, $0x2;
	[tilespmem:v1+s3+$0x0] =	vst.idx.add.f32.msk $0xffff, v2  }
0x38: {  	v1 =	vld [tilespmem:s17+$0xC800];
	s14 =	sand.u32 $0x7E00, s14  }
0x39: {  	s15 =	sand.u32 $0x70, s15;
	s14 =	sadd.s32 s14, s6  }
0x3a: {  	s14 =	sadd.s32 s15, s14  }
0x3b: {  	v2 =	vld [tilespmem:s14+$0x0]  }
.Ltmp7:
0x3c: {  	_ = 	snop;
	(pc) =	sbr.rel .LBB2_8-.Ltmp7, $2  }
0x3d: {  	_ =	sdelay $0x2  }
0x3e: {  	[tilespmem:v1+s3+$0x0] =	vst.idx.add.f32.msk $0xffff, v2  }
.LBB2_10:
0x3f: {  	_ =	sfence.sel $0x180000  }
0x40: {  	[bflag:$0x0] =	sbarrier.arrive $0xFFFF  }
0x41: {  	p0 =	sne.s32 s2, $0x0;
	_ =	strace $0x90000047  }
0x42: {  	s0 =	sadd.s32 @!p0 $0x100000, s0;
	[bflag:$0x2] =	sbarrier.arrive $0xFFFF  }
0x43: {  	[sflag:s0] =	ssyncadd.tile.s32 @!p0 $0x1;
	_ =	shalt  }
.Lfunc_end2:
_tile_overlayer_lowered:
.L_overlay_start_2:
0x44: {  	(tag) =	ssettag $0x2  }
0x45: {  	s0 =	rddreg [dreg:$0x0];
	s2 =	stileid.u32  }
0x46: {  	s1 =	rddreg [dreg:$0x1];
	p0 =	sne.s32 s2, $0x0  }
0x47: {  	s3 =	rddreg [dreg:$0x2];
	[bflag:$0x3] =	sbarrier.arrive $0xFFFF;
	s2 =	simm.s32 @!p0 $0x1C01  }
0x48: {  	[timem:s3], [sflag:s2] =	dma.local @!p0 [hbm:s0], s1  }
0x49: {  	s0 =	simm.s32 @!p0 $0x1  }
0x4a: {  	_ =	swait.ge @!p0 [sflag:s0], s1  }
0x4b: {  	s1 =	ssub.s32 @!p0 $0x0, s1;
	[sflag:s0] =	ssyncset.done @!p0 $0x0  }
0x4c: {  	[sflag:s0] =	ssyncadd.s32 @!p0 s1  }
0x4d: {  	[bflag:$0x3] =	sbarrier.arrive $0xFFFF  }
0x4e: {  	_ =	shalt  }

// kernel: kernel.9.cloned.1.call-start
scs
__scs_entry_jumppad:
0x0: {  	(pc) =	sbr.rel $0x88, $3  }
0x1: {  	(tag) =	ssettag $0x0;
	lr =	simm.s32 $0x1  }
0x2: {  	[smem:$0x3F9D] =	sst lr;
	_ =	strace $0xD0000000  }
0x3: {  	_ = 	snop  }
0x4: {  	_ = 	snop  }
0x5: {  	_ = 	snop  }
0x6: {  	_ = 	snop  }
0x7: {  	_ = 	snop  }
__scs_overlays_trampoline_lowered:
0x8: {  	[smem:$0x3FAC] =	sst s0  }
0x9: {  	[smem:$0x3FAD] =	sst s1  }
0xa: {  	[smem:$0x3FAE] =	sst s2  }
0xb: {  	[smem:$0x3FAF] =	sst s3  }
0xc: {  	[smem:$0x3FB0] =	sst s4  }
0xd: {  	[smem:$0x3FB1] =	sst s5  }
0xe: {  	[smem:$0x3FB2] =	sst s6  }
0xf: {  	[smem:$0x3FB3] =	sst s7  }
0x10: {  	[smem:$0x3FB4] =	sst s8  }
0x11: {  	[smem:$0x3FB5] =	sst s9;
	s0 =	simm.s32 @!p0 $0x0  }
0x12: {  	s1 =	sld [smem:$0x3F9B];
	s0 =	simm.s32 @p0 $0x1  }
0x13: {  	[smem:$0x3FB6] =	sst s0;
	s0 =	simm.s32 @!p1 $0x0  }
0x14: {  	s2 =	sld [smem:$0x3F9A];
	s0 =	simm.s32 @p1 $0x1  }
0x15: {  	[smem:$0x3FB7] =	sst s0;
	s0 =	simm.s32 @!p2 $0x0  }
0x16: {  	s3 =	sld [smem:$0x3FDB];
	s0 =	simm.s32 @p2 $0x1  }
0x17: {  	s4 =	simm.s32 $0x1BF5;
	[smem:$0x3FB9] =	sst s0  }
0x18: {  	s0 =	sld [smem:$0x3F9C];
	_ =	swait.ge [sflag:s4], $0x0  }
0x19: {  	s7 =	sld [smem:$0x3F9D]  }
0x1a: {  	s8 =	sadd.s32 $0xFFFFE003, lr  }
0x1b: {  	s9 =	sadd.s32 $0xFFFFFEF7, lr;
	s5 =	simm.s32 $0xFFFFFFFF;
	p2 =	slt.u32 s8, $0xFFFFF086  }
0x1c: {  	p1 =	slt.u32 s9, $0xF7A;
	s5 =	simm.s32 @!p2 $0x0  }
0x1d: {  	s5 =	simm.s32 @p1 $0x1;
	p0 =	seq.s32 s7, s2  }
0x1e: {  	s7 =	smul.u32 @!p0 $0xF7A, s2;
	p2 =	seq.s32 @!p0 s5, $0x0  }
0x1f: {  	s9 =	smul.u32 $0xF7A, s1;
	s8 =	simm.s32 @!p0 $0x1BF5;
	p2 =	por !p2, p0  }
0x20: {  	[sflag:s8] =	ssyncset.s32 @!p0 $0xFFFFF086;
	s6 =	sadd.s32 @!p0 s3, s7;
	s7 =	simm.s32 @!p0 $0x108  }
0x21: {  	s3 =	sadd.s32 s3, s9;
	s6 =	sadd.s32 @!p0 $0x88, s6;
	s7 =	simm.s32 @p2 $0x1082  }
0x22: {  	[simem:s7], [sflag:s8] =	dma.local @!p0 [hbm:s6], $0xF7A  }
0x23: {  	s9 =	sor.u32 $0xD0000000, s2;
	s6 =	simm.s32 $0x108;
	_ =	swait.ge @!p0 [sflag:s8], $0x0  }
0x24: {  	s3 =	sadd.s32 $0x88, s3;
	s6 =	simm.s32 @!p1 $0x1082;
	[sflag:s4] =	ssyncset.s32 $0xFFFFF086  }
0x25: {  	[simem:s6], [sflag:s4] =	dma.local [hbm:s3], $0xF7A  }
0x26: {  	[smem:$0x3F9D] =	sst s1;
	(tag) =	ssettag s2;
	_ =	strace s9  }
0x27: {  	s1 =	sld [smem:$0x3FAD]  }
0x28: {  	s2 =	sld [smem:$0x3FAE]  }
0x29: {  	s4 =	sld [smem:$0x3FB0]  }
0x2a: {  	p0 =	seq.s32 s5, $0x0;
	s5 =	sld [smem:$0x3FB1]  }
0x2b: {  	s6 =	sld [smem:$0x3FB2]  }
0x2c: {  	s7 =	sld [smem:$0x3FB3]  }
0x2d: {  	s3 =	simm.s32 $0x108;
	s8 =	sld [smem:$0x3FB4]  }
0x2e: {  	s3 =	simm.s32 @!p0 $0x1082;
	s9 =	sld [smem:$0x3FB5]  }
0x2f: {  	lr =	sadd.s32 s0, s3;
	s0 =	sld [smem:$0x3FAC]  }
0x30: {  	s3 =	sld [smem:$0x3FAF]  }
0x31: {  	[smem:$0x3FB8] =	sst s10  }
0x32: {  	s10 =	sld [smem:$0x3FB6];
	_ =	sdelay $0x3  }
0x33: {  	p0 =	seq.s32 s10, $0x1;
	s10 =	sld [smem:$0x3FB8];
	_ =	sdelay $0x3  }
0x34: {  	[smem:$0x3FB8] =	sst s10  }
0x35: {  	s10 =	sld [smem:$0x3FB7];
	_ =	sdelay $0x3  }
0x36: {  	p1 =	seq.s32 s10, $0x1;
	s10 =	sld [smem:$0x3FB8];
	_ =	sdelay $0x3  }
0x37: {  	[smem:$0x3FB8] =	sst s10  }
0x38: {  	s10 =	sld [smem:$0x3FB9]  }
0x39: {  	_ = 	snop;
	(pc) =	sbr.ind lr, $3  }
0x3a: {  	_ = 	snop  }
0x3b: {  	_ = 	snop  }
0x3c: {  	p2 =	seq.s32 s10, $0x1;
	s10 =	sld [smem:$0x3FB8]  }
0x3d: {  	_ =	shalt  }
0x3e: {  	_ =	shalt  }
0x3f: {  	_ =	shalt  }
0x40: {  	_ =	shalt  }
0x41: {  	_ =	shalt  }
0x42: {  	_ =	shalt  }
0x43: {  	_ =	shalt  }
0x44: {  	_ =	shalt  }
0x45: {  	_ =	shalt  }
0x46: {  	_ =	shalt  }
0x47: {  	_ =	shalt  }
0x48: {  	_ =	shalt  }
0x49: {  	_ =	shalt  }
0x4a: {  	_ =	shalt  }
0x4b: {  	_ =	shalt  }
0x4c: {  	_ =	shalt  }
0x4d: {  	_ =	shalt  }
0x4e: {  	_ =	shalt  }
0x4f: {  	_ =	shalt  }
0x50: {  	_ =	shalt  }
0x51: {  	_ =	shalt  }
0x52: {  	_ =	shalt  }
0x53: {  	_ =	shalt  }
0x54: {  	_ =	shalt  }
0x55: {  	_ =	shalt  }
0x56: {  	_ =	shalt  }
0x57: {  	_ =	shalt  }
0x58: {  	_ =	shalt  }
0x59: {  	_ =	shalt  }
0x5a: {  	_ =	shalt  }
0x5b: {  	_ =	shalt  }
0x5c: {  	_ =	shalt  }
0x5d: {  	_ =	shalt  }
0x5e: {  	_ =	shalt  }
0x5f: {  	_ =	shalt  }
0x60: {  	_ =	shalt  }
0x61: {  	_ =	shalt  }
0x62: {  	_ =	shalt  }
0x63: {  	_ =	shalt  }
0x64: {  	_ =	shalt  }
0x65: {  	_ =	shalt  }
0x66: {  	_ =	shalt  }
0x67: {  	_ =	shalt  }
0x68: {  	_ =	shalt  }
0x69: {  	_ =	shalt  }
0x6a: {  	_ =	shalt  }
0x6b: {  	_ =	shalt  }
0x6c: {  	_ =	shalt  }
0x6d: {  	_ =	shalt  }
0x6e: {  	_ =	shalt  }
0x6f: {  	_ =	shalt  }
0x70: {  	_ =	shalt  }
0x71: {  	_ =	shalt  }
0x72: {  	_ =	shalt  }
0x73: {  	_ =	shalt  }
0x74: {  	_ =	shalt  }
0x75: {  	_ =	shalt  }
0x76: {  	_ =	shalt  }
0x77: {  	_ =	shalt  }
0x78: {  	_ =	shalt  }
0x79: {  	_ =	shalt  }
0x7a: {  	_ =	shalt  }
0x7b: {  	_ =	shalt  }
0x7c: {  	_ =	shalt  }
0x7d: {  	_ =	shalt  }
0x7e: {  	_ =	shalt  }
0x7f: {  	_ =	shalt  }
0x80: {  	_ =	shalt  }
0x81: {  	_ =	shalt  }
0x82: {  	_ =	shalt  }
0x83: {  	_ =	shalt  }
0x84: {  	_ =	shalt  }
0x85: {  	_ =	shalt  }
0x86: {  	_ =	shalt  }
0x87: {  	_ =	shalt  }
.Lfunc_end0:
.L_simem_size_0:
called_computation.1_lowered:
.L_overlay_start_0:
0x88: {  	s2 =	sld [smem:$0x3FD9]  }
0x89: {  	s3 =	sld [smem:$0x3FFE];
	_ =	sdelay $0x1  }
0x8a: {  	s1 =	srdreg.scid  }
0x8b: {  	s0 =	sand.u32 $0x1, s1  }
0x8c: {  	s17 =	sshll.u32 s0, $0xA;
	s2 =	sadd.s32 s3, s2  }
0x8d: {  	s2 =	sadd.s32 s2, s17  }
0x8e: {  	[smem:$0x3FC4] =	sst s2  }
0x8f: {  	_ = 	snop  }
0x90: {  	s2 =	sld [smem:$0x3FC6];
	(tm) =	ssettm $0x1  }
0x91: {  	s18 =	sld [smem:$0x3FFB];
	_ =	sdelay $0x3  }
0x92: {  	_ =	strace s18  }
0x93: {  	s3 =	sld [smem:$0x3FFC];
	_ =	sdelay $0x3  }
0x94: {  	_ =	strace s3  }
0x95: {  	s3 =	sld [smem:$0x3FFD];
	_ =	sdelay $0x3  }
0x96: {  	_ =	strace s3  }
0x97: {  	_ =	strace $0x8FFFFFFF  }
0x98: {  	s19 =	sld [smem:$0x3FDB];
	_ =	sdelay $0x1  }
0x99: {  	s4 =	simm.s32 $_scs_section_size  }
0x9a: {  	s5 =	simm.s32 $_size__tile_overlayer_lowered;
	s6 =	simm.s32 $_tile_overlayer_lowered  }
0x9b: {  	s22 =	simm.s32 $0x1BFF;
	s21 =	sshll.u32 s6, $0x1;
	s3 =	sadd.s32 s4, s19  }
0x9c: {  	s7 =	simm.s32 $0x0;
	s20 =	sshll.u32 s5, $0x1;
	s5 =	sadd.s32 s21, s3  }
0x9d: {  	[timem:s7], [sflag:s22] =	dma.local [hbm:s5], s20  }
0x9e: {  	_ =	swait.ge [sflag:s22], s20  }
0x9f: {  	s4 =	ssub.s32 $0x0, s20;
	[sflag:s22] =	ssyncset.done $0x0  }
0xa0: {  	[sflag:s22] =	ssyncadd.s32 s4;
	_ =	sdelay $0x1  }
0xa1: {  	s23 =	simm.s32 $0x1B8B  }
0xa2: {  	_ =	swait.ge [sflag:s23], $0x1  }
0xa3: {  	[sflag:s23] =	ssyncset.done $0x0  }
0xa4: {  	s25 =	simm.s32 $0x1B8E;
	s24 =	sld [smem:$0x3FFE];
	[sflag:s23] =	ssyncadd.s32 $0xFFFFFFFF  }
0xa5: {  	s26 =	simm.s32 $execute0_lowered;
	[smem:$0x3FD2] =	sst s25  }
0xa6: {  	s5 =	sshll.u32 s26, $0x1;
	_ =	strace $0x80000049;
	[dreg:$0x1] =	wrdreg $0xFFFFFFFF  }
0xa7: {  	s28 =	simm.s32 $_size_execute0_lowered;
	s3 =	sadd.s32 s3, s5;
	[dreg:$0x0] =	wrdreg $0x0  }
0xa8: {  	s5 =	sshll.u32 s28, $0x1;
	[dreg:$0x2] =	wrdreg s3  }
0xa9: {  	[dreg:$0x3] =	wrdreg s5  }
0xaa: {  	[dreg:$0x4] =	wrdreg $0xC0  }
0xab: {  	_ =	task [dreg:s7], $0x5FFFF  }
0xac: {  	[dreg:$0x1] =	wrdreg $0xFFFFFFFF  }
0xad: {  	[dreg:$0x0] =	wrdreg $0x60  }
0xae: {  	[dreg:$0x2] =	wrdreg s24  }
0xaf: {  	[dreg:$0x3] =	wrdreg s2  }
0xb0: {  	[dreg:$0x4] =	wrdreg $0x9  }
0xb1: {  	_ =	task.clear_ibuf [dreg:s7], $0x5FFFF;
	_ =	strace $0x90000049  }
0xb2: {  	s29 =	simm.s32 $0x9;
	_ =	strace $0x8000004B  }
0xb3: {  	_ =	swait.ge [sflag:s29], $0x1  }
0xb4: {  	[sflag:s29] =	ssyncadd.s32 $0xFFFFFFFF  }
0xb5: {  	_ =	strace $0x9000004B  }
0xb6: {  	_ =	sfence  }
0xb7: {  	s30 =	sld [smem:$0x0];
	_ =	sdelay $0x2  }
0xb8: {  	s31 =	sshll.u32 s1, $0xD;
	s1 =	sshrl.u32 s1, $0x2  }
0xb9: {  	s3 =	sand.u32 $0x4000, s31;
	s1 =	sadd.s32 s1, s30  }
0xba: {  	s0 =	sor.u32 s3, s0;
	s1 =	sshll.u32 s1, $0x11  }
0xbb: {  	s0 =	sor.u32 s1, s0  }
0xbc: {  	s0 =	sadd.s32 $0x8F2B, s0  }
0xbd: {  	[sflag:s0] =	ssyncadd.remote.s32 $0x1  }
0xbe: {  	_ =	sfence.sel $0xFFFF  }
0xbf: {  	[dreg:$0x0] =	wrdreg $0xFFFFFFFF;
	(pc) =	sbr.abs _section_cstart, $3  }
0xc0: {  	[dreg:$0x1] =	wrdreg $0xFFFFFFFF  }
0xc1: {  	_ =	task.clear_ibuf [dreg:s7], $0x2FFFF;
	_ =	strace $0x9FFFFFFF  }
0xc2: {  	(tm) =	ssettm $0x7FFFFFFF  }
0xc3: {  	_ =	shalt  }
tec
execute0_lowered:
.L_overlay_start_1:
0x0: {  	(tag) =	ssettag $0x1  }
0x1: {  	s6 =	rddreg [dreg:$0x0]  }
0x2: {  	s2 =	rddreg [dreg:$0x1]  }
0x3: {  	s0 =	rddreg [dreg:$0x2];
	s1 =	stileid.u32  }
0x4: {  	s3 =	simm.s32 $0x0;
	s4 =	srdreg.scid;
	s12 =	simm.s32 $0x1  }
0x5: {  	s13 =	simm.s32 $0xC800;
	s14 =	simm.s32 $0x2;
	s15 =	simm.s32 $0xE100  }
0x6: {  	s16 =	simm.s32 $0x14500;
	s17 =	simm.s32 $0x0;
	s10 =	sshrl.u32 s1, $0x2  }
0x7: {  	[smem:$0x7FF] =	sst s3;
	s4 =	sand.u32 $0x1, s4;
	s5 =	smul.u32 $0x1900, s10  }
.Ltmp0:
0x8: {  	s30 =	sshll.u32 s1, $0x1;
	_ =	strace $0x8000004A;
	(pc) =	sbr.rel .LBB2_1-.Ltmp0, $4  }
0x9: {  	s7 =	ssub.s32 $0x2, s4;
	s31 =	sshll.u32 s10, $0x7;
	s10 =	smul.u32 $0x186A00, s10  }
0xa: {  	s9 =	sshrl.u32 s7, $0x1;
	s8 =	sadd.s32 s5, s6;
	s5 =	sadd.s32 $0x1000, s6  }
0xb: {  	s6 =	sadd.s32 $0xCAA00, s6;
	s11 =	ssub.s32 s7, s9;
	s7 =	sand.u32 $0x6, s30  }
0xc: {  	s9 =	sadd.s32 $0xE100, s31;
	s8 =	sadd.s32 $0xC4600, s8;
	s11 =	smax.u32 s11, $0x1  }
.LBB2_7:
0xd: {  	s17 =	sadd.s32 $0x1, s17  }
0xe: {  	p0 =	sne.s32 s17, s11  }
.Ltmp1:
0xf: {  	_ = 	snop;
	(pc) =	sbr.rel @!p0 .LBB2_8-.Ltmp1, $1  }
0x10: {  	_ =	sdelay $0x3  }
.LBB2_1:
.Ltmp2:
0x11: {  	(pc) =	sbr.rel .LBB2_2-.Ltmp2, $4  }
0x12: {  	[tilespmem:s3], [sflag:$0x1] =	stream.linear.gather [hbm4b:s8+s3], $0xC800, $0x38;
	[tilespmem:$0x15E00] =	vst v63  }
0x13: {  	_ =	swait.ge [sflag:s12], $0xC800  }
0x14: {  	[sflag:s12] =	ssyncset.done $0x0  }
0x15: {  	s18 =	simm.s32 $0x0;
	[sflag:s12] =	ssyncadd.s32 $0xFFFF3800  }
.LBB2_6:
0x16: {  	s18 =	sadd.s32 $0x1, s18  }
0x17: {  	p0 =	sne.s32 s18, $0x20  }
.Ltmp3:
0x18: {  	_ = 	snop;
	(pc) =	sbr.rel @!p0 .LBB2_7-.Ltmp3, $1  }
0x19: {  	_ =	sdelay $0x3  }
.LBB2_2:
0x1a: {  	s19 =	sshll.u32 s18, $0x3  }
0x1b: {  	s19 =	sor.u32 s7, s19  }
0x1c: {  	p0 =	sgt.u32 s19, $0xF9  }
.Ltmp4:
0x1d: {  	_ = 	snop;
	(pc) =	sbr.rel @p0 .LBB2_6-.Ltmp4, $1  }
0x1e: {  	_ =	sdelay $0x3  }
0x1f: {  	s20 =	sor.u32 s4, s19  }
0x20: {  	s19 =	smul.u32 $0x1900, s20;
	_ =	sdelay $0x1  }
0x21: {  	s21 =	sshrl.u32 s19, $0x3  }
0x22: {  	s24 =	simm.s32 $0x0;
	s21 =	sadd.s32 s2, s21  }
0x23: {  	[tilespmem:s13], [sflag:$0x2] =	stream.linear.gather [hbm4b:s21+s24], $0x1900, $0x38;
	[tilespmem:$0x15E00] =	vst v63  }
0x24: {  	s20 =	smul.u32 $0xC80, s20;
	_ =	swait.ge [sflag:s14], $0x1900  }
0x25: {  	[sflag:s14] =	ssyncset.done $0x0  }
0x26: {  	s20 =	sadd.s32 s5, s20;
	[sflag:s14] =	ssyncadd.s32 $0xFFFFE700  }
0x27: {  	[tilespmem:s15], [sflag:$0x2] =	stream.linear.gather [hbm4b:s20+s24], $0x6400, $0x38;
	[tilespmem:$0x15E00] =	vst v63  }
0x28: {  	_ =	swait.ge [sflag:s14], $0x6400  }
0x29: {  	[sflag:s14] =	ssyncset.done $0x0  }
0x2a: {  	s20 =	simm.s32 $0x0;
	[sflag:s14] =	ssyncadd.s32 $0xFFFF9C00  }
0x2b: {  	v1 =	vld [tilespmem:s20+$0xC800];
	_ =	sdelay $0x5  }
0x2c: {  	s22 =	simm.s32 $0x10;
	s25 =	sand.u32 $0x7E00, s24;
	s21 =	simm.s32 $0x10  }
0x2d: {  	s23 =	simm.s32 $0x40;
	s26 =	sand.u32 $0x70, s24;
	s25 =	sadd.s32 s25, s9;
	v0 =	vld [tilespmem:s21+$0xC800]  }
0x2e: {  	s26 =	sadd.s32 s26, s25;
	s25 =	simm.s32 $0x40;
	s24 =	simm.s32 $0x20;
	v1 =	vld.idx.msk [tilespmem:v1+s3+$0x0], $0xffff  }
.LBB2_4:
0x2f: {  	p0 =	sne.s32 s24, $0x18F0;
	v2 =	vld [tilespmem:s26+$0x0];
	s26 =	smov.u32 s22;
	s22 =	smov.u32 s24  }
0x30: {  	_ =	sdelay $0x1  }
0x31: {  	v3 =	vmov v0  }
.Ltmp5:
0x32: {  	(pc) =	sbr.rel @p0 .LBB2_4-.Ltmp5, $4  }
0x33: {  	s23 =	sadd.s32 $0x40, s23;
	v1 =	vmul.f32 v2, v1  }
0x34: {  	s29 =	sand.u32 $0x7E00, s25;
	s28 =	sshra.s32 s23, $0x2;
	s25 =	smov.u32 s23  }
0x35: {  	s26 =	sand.u32 $0x70, s26;
	s29 =	sadd.s32 s29, s9;
	v0 =	vld [tilespmem:s28+$0xC800];
	[tilespmem:s20+$0x14500] =	vst v1;
	s20 =	smov.u32 s21  }
0x36: {  	s24 =	sadd.s32 $0x10, s24;
	s26 =	sadd.s32 s26, s29;
	s21 =	smov.u32 s28;
	v1 =	vld.idx.msk [tilespmem:v3+s3+$0x0], $0xffff  }
0x37: {  	v2 =	vld [tilespmem:s26+$0x0];
	_ =	sdelay $0x4  }
0x38: {  	v1 =	vmul.f32 v2, v1  }
0x39: {  	s23 =	sand.u32 $0x7E00, s25  }
0x3a: {  	s22 =	sand.u32 $0x70, s22;
	s23 =	sadd.s32 s23, s9;
	[tilespmem:s20+$0x14500] =	vst v1  }
0x3b: {  	s31 =	sadd.s32 s22, s23;
	v0 =	vld.idx.msk [tilespmem:v0+s3+$0x0], $0xffff  }
0x3c: {  	v1 =	vld [tilespmem:s31+$0x0];
	_ =	sdelay $0x4  }
0x3d: {  	s19 =	sadd.s32 s10, s19;
	v0 =	vmul.f32 v1, v0  }
0x3e: {  	s19 =	sshrl.u32 s19, $0x3  }
.Ltmp6:
0x3f: {  	s19 =	sadd.s32 s6, s19;
	[tilespmem:s21+$0x14500] =	vst v0;
	(pc) =	sbr.rel .LBB2_6-.Ltmp6, $4  }
0x40: {  	[hbm4b:s19+s3] =	stream.linear.scatter [tilespmem:s16], [sflag:$0x1], $0x1900, $0x38;
	[tilespmem:$0x15E00] =	vst v63  }
0x41: {  	_ =	swait.ge [sflag:s12], $0x1900  }
0x42: {  	[sflag:s12] =	ssyncset.done $0x0  }
0x43: {  	[sflag:s12] =	ssyncadd.s32 $0xFFFFE700  }
.LBB2_8:
0x44: {  	_ =	sfence.sel $0x180000  }
0x45: {  	[bflag:$0x0] =	sbarrier.arrive $0xFFFF  }
0x46: {  	p0 =	sne.s32 s1, $0x0;
	_ =	strace $0x9000004A  }
0x47: {  	s0 =	sadd.s32 @!p0 $0x100000, s0;
	[bflag:$0x2] =	sbarrier.arrive $0xFFFF  }
0x48: {  	[sflag:s0] =	ssyncadd.tile.s32 @!p0 $0x1;
	_ =	shalt  }
.Lfunc_end2:
_tile_overlayer_lowered:
.L_overlay_start_2:
0x49: {  	(tag) =	ssettag $0x2  }
0x4a: {  	s0 =	rddreg [dreg:$0x0];
	s2 =	stileid.u32  }
0x4b: {  	s1 =	rddreg [dreg:$0x1];
	p0 =	sne.s32 s2, $0x0  }
0x4c: {  	s3 =	rddreg [dreg:$0x2];
	[bflag:$0x3] =	sbarrier.arrive $0xFFFF;
	s2 =	simm.s32 @!p0 $0x1C01  }
0x4d: {  	[timem:s3], [sflag:s2] =	dma.local @!p0 [hbm:s0], s1  }
0x4e: {  	s0 =	simm.s32 @!p0 $0x1  }
0x4f: {  	_ =	swait.ge @!p0 [sflag:s0], s1  }
0x50: {  	s1 =	ssub.s32 @!p0 $0x0, s1;
	[sflag:s0] =	ssyncset.done @!p0 $0x0  }
0x51: {  	[sflag:s0] =	ssyncadd.s32 @!p0 s1  }
0x52: {  	[bflag:$0x3] =	sbarrier.arrive $0xFFFF  }
0x53: {  	_ =	shalt  }

</sc_bundles>
